<compile_context>
chip_gen: v7x
topology: tpu7x:2x2x1
jax: 0.10.2.dev20260603
libtpu: 0.0.44.dev20260713+nightly
codegen_flags: <defaults>
</compile_context>

<pallas_src>
import functools

import jax
import jax.numpy as jnp
from jax import lax
from jax.experimental import pallas as pl
from jax.experimental.pallas import tpu as pltpu
from jax.experimental.pallas import tpu_sc as plsc

_V = 1000000
_B = 16384
_F = 26
_D = 32
_C = 19
_CD = _C * _D
_ED = _F * _D
_NW = 32
_N = _B * _F
_G = 128
_SUB = 4

_TB = 1024
_CP = 32


@functools.cache
def _sc_gather_fn(nrows):
    rows_per_w = nrows // _NW
    steps = rows_per_w // _SUB
    mesh = plsc.VectorSubcoreMesh(core_axis_name="c", subcore_axis_name="s")

    @functools.partial(
        pl.kernel,
        mesh=mesh,
        compiler_params=pltpu.CompilerParams(use_tc_tiling_on_sc=False,
                                             needs_layout_passes=False),
        out_type=[
            jax.ShapeDtypeStruct((nrows, _G, _D), jnp.float32),
            jax.ShapeDtypeStruct((nrows * _G,), jnp.float32),
        ],
        scratch_types=[
            pltpu.VMEM((_SUB * _G,), jnp.int32),
            pltpu.VMEM((_SUB * _G,), jnp.int32),
            pltpu.VMEM((_SUB, _G, _D), jnp.float32),
            pltpu.VMEM((_SUB * _G, 16), jnp.float32),
            pltpu.VMEM((_SUB * _G,), jnp.float32),
            pltpu.SemaphoreType.DMA,
            pltpu.SemaphoreType.DMA,
        ],
    )
    def sc_gather(emb_hbm, fc16_hbm, idx_hbm, out_e, out_f,
                  idx_v, ridx_v, rows_v, fcrows_v, fcv_v, sem_e, sem_f):
        wid = lax.axis_index("s") * 2 + lax.axis_index("c")
        base = wid * rows_per_w
        iota = lax.iota(jnp.int32, 16)
        ck = _SUB * _G

        def step(s, carry):
            row0 = base + s * _SUB
            k0 = row0 * _G
            pltpu.sync_copy(idx_hbm.at[pl.ds(k0, ck)], idx_v)
            emb_cp = [
                pltpu.async_copy(emb_hbm.at[idx_v.at[pl.ds(j * _G, _G)]],
                                 rows_v.at[j], sem_e)
                for j in range(_SUB)
            ]
            def rbody(t, c):
                v = idx_v[pl.ds(t * 16, 16)]
                ridx_v[pl.ds(t * 16, 16)] = jnp.right_shift(v, 4)
                return c

            lax.fori_loop(0, ck // 16, rbody, 0)
            fc_cp = [
                pltpu.async_copy(fc16_hbm.at[ridx_v.at[pl.ds(j * _G, _G)]],
                                 fcrows_v.at[pl.ds(j * _G, _G)], sem_f)
                for j in range(_SUB)
            ]
            for cp in emb_cp:
                cp.wait()
            for cp in fc_cp:
                cp.wait()

            def ebody(t, c):
                v = idx_v[pl.ds(t * 16, 16)]
                col = jnp.bitwise_and(v, 15)
                kvec = t * 16 + iota
                fcv_v[pl.ds(t * 16, 16)] = plsc.load_gather(
                    fcrows_v, [kvec, col])
                return c

            lax.fori_loop(0, ck // 16, ebody, 0)
            pltpu.sync_copy(rows_v, out_e.at[pl.ds(row0, _SUB)])
            pltpu.sync_copy(fcv_v, out_f.at[pl.ds(k0, ck)])
            return carry

        lax.fori_loop(0, steps, step, 0)

    return sc_gather


def _tc_body(ex_ref, xc_ref, fcv_ref, cw_ref, cb_ref, w1e_ref, w1c_ref,
             b1_ref, w2_ref, b2_ref, w3_ref, se_ref, sc_ref, c0_ref,
             out_ref):
    dot = functools.partial(jnp.dot, preferred_element_type=jnp.float32)
    xcont = xc_ref[...]
    xc = dot(xcont, cw_ref[...]) + cb_ref[...]
    ex = ex_ref[...]
    h = dot(ex, w1e_ref[...])
    h = h + dot(xc, w1c_ref[...])
    h = jnp.maximum(h + b1_ref[...], 0.0)
    h2 = dot(h, w2_ref[...])
    h2 = jnp.maximum(h2 + b2_ref[...], 0.0)
    mlp = dot(h2, w3_ref[...])
    lin = (jnp.sum(fcv_ref[...], axis=1, keepdims=True)
           + jnp.sum(xcont, axis=1, keepdims=True))
    s = dot(ex, se_ref[...]) + dot(xc, sc_ref[...])
    q = dot(ex * ex, se_ref[...]) + dot(xc * xc, sc_ref[...])
    inter = 0.5 * jnp.sum(s * s - q, axis=1, keepdims=True)
    out_ref[...] = lin + inter + mlp + c0_ref[...]


def _tc_dense(ex_flat, x_continuous, fc_vals, cont_w, cont_b, w1e, w1c, b1,
              w2, b2, w3, s_e, s_c, c0):
    nb = ex_flat.shape[0]
    grid = (nb // _TB,)
    const = lambda i: (0, 0)
    return pl.pallas_call(
        _tc_body,
        grid=grid,
        in_specs=[
            pl.BlockSpec((_TB, _ED), lambda i: (i, 0)),
            pl.BlockSpec((_TB, _CP), lambda i: (i, 0)),
            pl.BlockSpec((_TB, _F), lambda i: (i, 0)),
            pl.BlockSpec((_CP, _CD), const),
            pl.BlockSpec((1, _CD), const),
            pl.BlockSpec((_ED, 256), const),
            pl.BlockSpec((_CD, 256), const),
            pl.BlockSpec((1, 256), const),
            pl.BlockSpec((256, 128), const),
            pl.BlockSpec((1, 128), const),
            pl.BlockSpec((128, 1), const),
            pl.BlockSpec((_ED, _D), const),
            pl.BlockSpec((_CD, _D), const),
            pl.BlockSpec((1, 1), const),
        ],
        out_specs=pl.BlockSpec((_TB, 1), lambda i: (i, 0)),
        out_shape=jax.ShapeDtypeStruct((nb, 1), jnp.float32),
    )(ex_flat, x_continuous, fc_vals, cont_w, cont_b, w1e, w1c, b1, w2, b2,
      w3, s_e, s_c, c0)


def kernel(x_categorical, x_continuous, emb_table, fc_table, bias, cont_w,
           cont_b, w1, b1, w2, b2, w3, b3):
    idx = x_categorical.astype(jnp.int32).reshape(_N)
    fc16 = fc_table.reshape(_V // 16, 16)

    w1e = w1[:_ED]
    w1c = w1[_ED:]
    s_e = jnp.tile(jnp.eye(_D, dtype=jnp.float32), (_F, 1))
    s_c = jnp.tile(jnp.eye(_D, dtype=jnp.float32), (_C, 1))
    c0 = (bias[0] + b3[0]).reshape(1, 1)
    xcont_p = jnp.pad(x_continuous, ((0, 0), (0, _CP - _C)))
    cont_w_p = jnp.pad(cont_w, ((0, _CP - _C), (0, 0)))

    hb = _B // 2
    hn = _N // 2
    sc = _sc_gather_fn(hn // _G)
    ys = []
    gathered = [sc(emb_table, fc16, lax.slice_in_dim(idx, i * hn, (i + 1) * hn))
                for i in range(2)]
    for i, (rows, fcv) in enumerate(gathered):
        ex_flat = rows.reshape(hb, _ED)
        fc_vals = fcv.reshape(hb, _F)
        y = _tc_dense(ex_flat,
                      lax.slice_in_dim(xcont_p, i * hb, (i + 1) * hb),
                      fc_vals, cont_w_p, cont_b.reshape(1, _CD), w1e, w1c,
                      b1.reshape(1, 256), w2, b2.reshape(1, 128), w3, s_e,
                      s_c, c0)
        ys.append(y.reshape(hb))
    return jnp.concatenate(ys)

# --- scband reference (transcript-rebuilt; emitter-appended) ---
"""Pipeline reference for scband-deep-fm-38852274159976 (READ-ONLY COPY).

The authoritative reference and input builder live on the scoring server;
editing this copy changes nothing except your own understanding.
"""

import jax, jax.numpy as jnp
import numpy as np

B = 16384
F = 26
V = 1000000
D = 32
C = 19
MLP_IN = F * D + C * D  # 1440


def setup_inputs(seed: int = 0) -> dict:
    key = jax.random.key(seed)
    ks = [jax.random.fold_in(key, i) for i in range(16)]
    x_categorical = jax.random.randint(ks[0], (B, F), 0, V)
    x_continuous = jax.random.normal(ks[1], (B, C), dtype=jnp.float32)
    emb_table = jax.random.normal(ks[2], (V, D), dtype=jnp.float32) * 0.01
    fc_table = jax.random.normal(ks[3], (V, 1), dtype=jnp.float32) * 0.01
    bias = jnp.zeros((1,), dtype=jnp.float32)
    cont_w = jax.random.normal(ks[4], (C, C * D), dtype=jnp.float32) * 0.05
    cont_b = jnp.zeros((C * D,), dtype=jnp.float32)
    w1 = jax.random.normal(ks[5], (MLP_IN, 256), dtype=jnp.float32) * 0.02
    b1 = jnp.zeros((256,), dtype=jnp.float32)
    w2 = jax.random.normal(ks[6], (256, 128), dtype=jnp.float32) * 0.05
    b2 = jnp.zeros((128,), dtype=jnp.float32)
    w3 = jax.random.normal(ks[7], (128, 1), dtype=jnp.float32) * 0.05
    b3 = jnp.zeros((1,), dtype=jnp.float32)
    return {
        "x_categorical": x_categorical,
        "x_continuous": x_continuous,
        "emb_table": emb_table,
        "fc_table": fc_table,
        "bias": bias,
        "cont_w": cont_w,
        "cont_b": cont_b,
        "w1": w1, "b1": b1, "w2": w2, "b2": b2, "w3": w3, "b3": b3,
    }


def reference(x_categorical, x_continuous, emb_table, fc_table, bias, cont_w, cont_b, w1, b1, w2, b2, w3, b3):
    # --- FM component ---
    embed_x = jnp.take(emb_table, x_categorical, axis=0)              # [B, F, D]
    xc_t = x_continuous @ cont_w + cont_b                              # [B, C*D]
    xc_t3 = xc_t.reshape(-1, C, D)                                     # [B, C, D]
    fm_input = jnp.concatenate([embed_x, xc_t3], axis=1)               # [B, F+C, D]
    linear_part = jnp.sum(jnp.take(fc_table, x_categorical, axis=0), axis=1) + bias  # [B, 1]
    linear_part = linear_part + jnp.sum(x_continuous, axis=1, keepdims=True)
    square_of_sum = jnp.sum(fm_input, axis=1) ** 2                     # [B, D]
    sum_of_square = jnp.sum(fm_input ** 2, axis=1)                     # [B, D]
    interaction_part = 0.5 * jnp.sum(square_of_sum - sum_of_square, axis=1, keepdims=True)
    fm_y = linear_part + interaction_part                              # [B, 1]
    # --- MLP component ---
    ex_flat = embed_x.reshape(embed_x.shape[0], -1)                    # [B, F*D]
    combined = jnp.concatenate([ex_flat, xc_t], axis=1)                # [B, MLP_IN]
    h = jax.nn.relu(combined @ w1 + b1)
    h = jax.nn.relu(h @ w2 + b2)
    mlp_y = h @ w3 + b3                                                # [B, 1]
    y = fm_y + mlp_y
    return jnp.squeeze(y, axis=1)                                      # [B]

if __name__ == "__main__":
    import jax
    _d = setup_inputs()
    print(jax.jit(kernel)(*tuple(_d.values())))

</pallas_src>

<mosaic_0001>
#map = affine_map<(d0, d1) -> (0, 0)>
#map1 = affine_map<(d0, d1) -> (0)>
#map2 = affine_map<(d0, d1) -> (0, 0, 0)>
module attributes {stable_mosaic.version = 14 : i64} {
  func.func @sc_gather(%arg0: i32, %arg1: i32, %arg2: memref<1000000x32xf32, #tpu.memory_space<hbm>>, %arg3: memref<62500x16xf32, #tpu.memory_space<hbm>>, %arg4: memref<212992xi32, #tpu.memory_space<hbm>>, %arg5: memref<1664x128x32xf32, #tpu.memory_space<hbm>>, %arg6: memref<212992xf32, #tpu.memory_space<hbm>>, %arg7: memref<512xi32, #tpu.memory_space<vmem>>, %arg8: memref<512xi32, #tpu.memory_space<vmem>>, %arg9: memref<4x128x32xf32, #tpu.memory_space<vmem>>, %arg10: memref<512x16xf32, #tpu.memory_space<vmem>>, %arg11: memref<512xf32, #tpu.memory_space<vmem>>, %arg12: memref<!tpu.dma_semaphore, #tpu.memory_space<semaphore_mem>>, %arg13: memref<!tpu.dma_semaphore, #tpu.memory_space<semaphore_mem>>) attributes {dimension_semantics = [#tpu.dimension_semantics<core_parallel>, #tpu.dimension_semantics<subcore_parallel>], iteration_bounds = array<i64: 2, 16>, scalar_prefetch = 0 : i64, scratch_operands = 7 : i64, tpu.core_type = #tpu.core_type<sc_vector_subcore>, window_params = [{transform_indices = #map}, {transform_indices = #map}, {transform_indices = #map1}, {transform_indices = #map2}, {transform_indices = #map1}]} {
    %mul3A = arith.constant 2 : i32
    %mul3A_0 = arith.muli %arg1, %mul3A : i32
    %add3A = arith.addi %mul3A_0, %arg0 : i32
    %mul3A_1 = arith.constant 52 : i32
    %mul3A_2 = arith.muli %add3A, %mul3A_1 : i32
    %iota3A = tpu.iota {dimensions = array<i32: 0>} : vector<16xi32>
    %scan3A = arith.constant 0 : i32
    %scan3A_3 = arith.constant 0 : i32
    %scan3A_4 = arith.constant 13 : i32
    %scan3A_5 = arith.addi %scan3A_3, %scan3A_4 : i32
    %scan3A_6 = arith.constant 1 : i32
    scf.for %scan3A_8 = %scan3A_3 to %scan3A_5 step %scan3A_6  : i32 {
      %mul3A_9 = arith.constant 4 : i32
      %mul3A_10 = arith.muli %scan3A_8, %mul3A_9 : i32
      %add3A_11 = arith.addi %mul3A_2, %mul3A_10 : i32
      %mul3A_12 = arith.constant 128 : i32
      %mul3A_13 = arith.muli %add3A_11, %mul3A_12 : i32
      "tpu.region"() ({
        %run_scoped3A = tpu.sem_alloc : memref<!tpu.dma_semaphore, #tpu.memory_space<semaphore_mem>>
        %dma_start3A_168 = tpu.memref_slice %arg4[%mul3A_13] : memref<212992xi32, #tpu.memory_space<hbm>> -> memref<512xi32, #tpu.memory_space<hbm>>
        %dma_start3A_169 = tpu.memref_slice %arg4[%mul3A_13] : memref<212992xi32, #tpu.memory_space<hbm>> -> memref<512xi32, #tpu.memory_space<hbm>>
        tpu.enqueue_dma source(%dma_start3A_169 : memref<512xi32, #tpu.memory_space<hbm>>) target(%arg7 : memref<512xi32, #tpu.memory_space<vmem>>) target_semaphore(%run_scoped3A : memref<!tpu.dma_semaphore, #tpu.memory_space<semaphore_mem>>)
        %dma_wait3A_170 = tpu.memref_slice %arg4[%mul3A_13] : memref<212992xi32, #tpu.memory_space<hbm>> -> memref<512xi32, #tpu.memory_space<hbm>>
        %dma_wait3A_171 = tpu.memref_slice %arg4[%mul3A_13] : memref<212992xi32, #tpu.memory_space<hbm>> -> memref<512xi32, #tpu.memory_space<hbm>>
        tpu.wait_dma2 semaphore(%run_scoped3A : memref<!tpu.dma_semaphore, #tpu.memory_space<semaphore_mem>>) src(%dma_wait3A_171 : memref<512xi32, #tpu.memory_space<hbm>>) dst(%arg7 : memref<512xi32, #tpu.memory_space<vmem>>)
        tpu.yield
      }) : () -> ()
      %dma_start3A = arith.constant 0 : i32
      %dma_start3A_14 = arith.constant 0 : i32
      %dma_start3A_15 = arith.constant 0 : i32
      %dma_start3A_16 = tpu.memref_slice %arg9[%dma_start3A, %dma_start3A_14, %dma_start3A_15] : memref<4x128x32xf32, #tpu.memory_space<vmem>> -> memref<1x128x32xf32, #tpu.memory_space<vmem>>
      %dma_start3A_17 = tpu.memref_squeeze %dma_start3A_16 : memref<1x128x32xf32, #tpu.memory_space<vmem>> -> memref<128x32xf32, #tpu.memory_space<vmem>>
      %dma_start3A_18 = arith.constant 0 : i32
      %dma_start3A_19 = tpu.memref_slice %arg7[%dma_start3A_18] : memref<512xi32, #tpu.memory_space<vmem>> -> memref<128xi32, #tpu.memory_space<vmem>>
      %dma_start3A_20 = arith.constant 0 : i32
      %dma_start3A_21 = arith.constant 0 : i32
      %dma_start3A_22 = tpu.memref_slice %arg2[%dma_start3A_20, %dma_start3A_21] : memref<1000000x32xf32, #tpu.memory_space<hbm>> -> memref<1000000x32xf32, #tpu.memory_space<hbm>>
      tpu.enqueue_indirect_dma source(%dma_start3A_22 : memref<1000000x32xf32, #tpu.memory_space<hbm>>) target(%dma_start3A_17 : memref<128x32xf32, #tpu.memory_space<vmem>>) offsets(%dma_start3A_19 : memref<128xi32, #tpu.memory_space<vmem>>) semaphore(%arg12 : memref<!tpu.dma_semaphore, #tpu.memory_space<semaphore_mem>>)
      %dma_start3A_23 = arith.constant 1 : i32
      %dma_start3A_24 = arith.constant 0 : i32
      %dma_start3A_25 = arith.constant 0 : i32
      %dma_start3A_26 = tpu.memref_slice %arg9[%dma_start3A_23, %dma_start3A_24, %dma_start3A_25] : memref<4x128x32xf32, #tpu.memory_space<vmem>> -> memref<1x128x32xf32, #tpu.memory_space<vmem>>
      %dma_start3A_27 = tpu.memref_squeeze %dma_start3A_26 : memref<1x128x32xf32, #tpu.memory_space<vmem>> -> memref<128x32xf32, #tpu.memory_space<vmem>>
      %dma_start3A_28 = arith.constant 128 : i32
      %dma_start3A_29 = tpu.memref_slice %arg7[%dma_start3A_28] : memref<512xi32, #tpu.memory_space<vmem>> -> memref<128xi32, #tpu.memory_space<vmem>>
      %dma_start3A_30 = arith.constant 0 : i32
      %dma_start3A_31 = arith.constant 0 : i32
      %dma_start3A_32 = tpu.memref_slice %arg2[%dma_start3A_30, %dma_start3A_31] : memref<1000000x32xf32, #tpu.memory_space<hbm>> -> memref<1000000x32xf32, #tpu.memory_space<hbm>>
      tpu.enqueue_indirect_dma source(%dma_start3A_32 : memref<1000000x32xf32, #tpu.memory_space<hbm>>) target(%dma_start3A_27 : memref<128x32xf32, #tpu.memory_space<vmem>>) offsets(%dma_start3A_29 : memref<128xi32, #tpu.memory_space<vmem>>) semaphore(%arg12 : memref<!tpu.dma_semaphore, #tpu.memory_space<semaphore_mem>>)
      %dma_start3A_33 = arith.constant 2 : i32
      %dma_start3A_34 = arith.constant 0 : i32
      %dma_start3A_35 = arith.constant 0 : i32
      %dma_start3A_36 = tpu.memref_slice %arg9[%dma_start3A_33, %dma_start3A_34, %dma_start3A_35] : memref<4x128x32xf32, #tpu.memory_space<vmem>> -> memref<1x128x32xf32, #tpu.memory_space<vmem>>
      %dma_start3A_37 = tpu.memref_squeeze %dma_start3A_36 : memref<1x128x32xf32, #tpu.memory_space<vmem>> -> memref<128x32xf32, #tpu.memory_space<vmem>>
      %dma_start3A_38 = arith.constant 256 : i32
      %dma_start3A_39 = tpu.memref_slice %arg7[%dma_start3A_38] : memref<512xi32, #tpu.memory_space<vmem>> -> memref<128xi32, #tpu.memory_space<vmem>>
      %dma_start3A_40 = arith.constant 0 : i32
      %dma_start3A_41 = arith.constant 0 : i32
      %dma_start3A_42 = tpu.memref_slice %arg2[%dma_start3A_40, %dma_start3A_41] : memref<1000000x32xf32, #tpu.memory_space<hbm>> -> memref<1000000x32xf32, #tpu.memory_space<hbm>>
      tpu.enqueue_indirect_dma source(%dma_start3A_42 : memref<1000000x32xf32, #tpu.memory_space<hbm>>) target(%dma_start3A_37 : memref<128x32xf32, #tpu.memory_space<vmem>>) offsets(%dma_start3A_39 : memref<128xi32, #tpu.memory_space<vmem>>) semaphore(%arg12 : memref<!tpu.dma_semaphore, #tpu.memory_space<semaphore_mem>>)
      %dma_start3A_43 = arith.constant 3 : i32
      %dma_start3A_44 = arith.constant 0 : i32
      %dma_start3A_45 = arith.constant 0 : i32
      %dma_start3A_46 = tpu.memref_slice %arg9[%dma_start3A_43, %dma_start3A_44, %dma_start3A_45] : memref<4x128x32xf32, #tpu.memory_space<vmem>> -> memref<1x128x32xf32, #tpu.memory_space<vmem>>
      %dma_start3A_47 = tpu.memref_squeeze %dma_start3A_46 : memref<1x128x32xf32, #tpu.memory_space<vmem>> -> memref<128x32xf32, #tpu.memory_space<vmem>>
      %dma_start3A_48 = arith.constant 384 : i32
      %dma_start3A_49 = tpu.memref_slice %arg7[%dma_start3A_48] : memref<512xi32, #tpu.memory_space<vmem>> -> memref<128xi32, #tpu.memory_space<vmem>>
      %dma_start3A_50 = arith.constant 0 : i32
      %dma_start3A_51 = arith.constant 0 : i32
      %dma_start3A_52 = tpu.memref_slice %arg2[%dma_start3A_50, %dma_start3A_51] : memref<1000000x32xf32, #tpu.memory_space<hbm>> -> memref<1000000x32xf32, #tpu.memory_space<hbm>>
      tpu.enqueue_indirect_dma source(%dma_start3A_52 : memref<1000000x32xf32, #tpu.memory_space<hbm>>) target(%dma_start3A_47 : memref<128x32xf32, #tpu.memory_space<vmem>>) offsets(%dma_start3A_49 : memref<128xi32, #tpu.memory_space<vmem>>) semaphore(%arg12 : memref<!tpu.dma_semaphore, #tpu.memory_space<semaphore_mem>>)
      %scan3A_53 = arith.constant 0 : i32
      %scan3A_54 = arith.constant 0 : i32
      %scan3A_55 = arith.constant 32 : i32
      %scan3A_56 = arith.addi %scan3A_54, %scan3A_55 : i32
      %scan3A_57 = arith.constant 1 : i32
      scf.for %scan3A_168 = %scan3A_54 to %scan3A_56 step %scan3A_57  : i32 {
        %mul3A_169 = arith.constant 16 : i32
        %mul3A_170 = arith.muli %scan3A_168, %mul3A_169 : i32
        %get3A = arith.index_cast %mul3A_170 : i32 to index
        %get3A_171 = tpu.vector_load %arg7[%get3A] {strides = array<i32>} : memref<512xi32, #tpu.memory_space<vmem>>, vector<16xi32>,
        %shift_right_arithmetic3A = arith.constant 4 : i32
        %shift_right_arithmetic3A_172 = vector.broadcast %shift_right_arithmetic3A : i32 to vector<16xi32>
        %shift_right_arithmetic3A_173 = arith.shrsi %get3A_171, %shift_right_arithmetic3A_172 : vector<16xi32>
        %mul3A_174 = arith.constant 16 : i32
        %mul3A_175 = arith.muli %scan3A_168, %mul3A_174 : i32
        %swap3A = arith.index_cast %mul3A_175 : i32 to index
        %swap3A_176 = tpu.vector_load %arg8[%swap3A] {strides = array<i32>} : memref<512xi32, #tpu.memory_space<vmem>>, vector<16xi32>,
        tpu.vector_store %arg8[%swap3A], %shift_right_arithmetic3A_173 {strides = array<i32>} : memref<512xi32, #tpu.memory_space<vmem>>, vector<16xi32>,
      }
      %scan3A_58 = arith.constant 32 : i32
      %dma_start3A_59 = arith.constant 0 : i32
      %dma_start3A_60 = arith.constant 0 : i32
      %dma_start3A_61 = tpu.memref_slice %arg10[%dma_start3A_59, %dma_start3A_60] : memref<512x16xf32, #tpu.memory_space<vmem>> -> memref<128x16xf32, #tpu.memory_space<vmem>>
      %dma_start3A_62 = arith.constant 0 : i32
      %dma_start3A_63 = tpu.memref_slice %arg8[%dma_start3A_62] : memref<512xi32, #tpu.memory_space<vmem>> -> memref<128xi32, #tpu.memory_space<vmem>>
      %dma_start3A_64 = arith.constant 0 : i32
      %dma_start3A_65 = arith.constant 0 : i32
      %dma_start3A_66 = tpu.memref_slice %arg3[%dma_start3A_64, %dma_start3A_65] : memref<62500x16xf32, #tpu.memory_space<hbm>> -> memref<62500x16xf32, #tpu.memory_space<hbm>>
      tpu.enqueue_indirect_dma source(%dma_start3A_66 : memref<62500x16xf32, #tpu.memory_space<hbm>>) target(%dma_start3A_61 : memref<128x16xf32, #tpu.memory_space<vmem>>) offsets(%dma_start3A_63 : memref<128xi32, #tpu.memory_space<vmem>>) semaphore(%arg13 : memref<!tpu.dma_semaphore, #tpu.memory_space<semaphore_mem>>)
      %dma_start3A_67 = arith.constant 128 : i32
      %dma_start3A_68 = arith.constant 0 : i32
      %dma_start3A_69 = tpu.memref_slice %arg10[%dma_start3A_67, %dma_start3A_68] : memref<512x16xf32, #tpu.memory_space<vmem>> -> memref<128x16xf32, #tpu.memory_space<vmem>>
      %dma_start3A_70 = arith.constant 128 : i32
      %dma_start3A_71 = tpu.memref_slice %arg8[%dma_start3A_70] : memref<512xi32, #tpu.memory_space<vmem>> -> memref<128xi32, #tpu.memory_space<vmem>>
      %dma_start3A_72 = arith.constant 0 : i32
      %dma_start3A_73 = arith.constant 0 : i32
      %dma_start3A_74 = tpu.memref_slice %arg3[%dma_start3A_72, %dma_start3A_73] : memref<62500x16xf32, #tpu.memory_space<hbm>> -> memref<62500x16xf32, #tpu.memory_space<hbm>>
      tpu.enqueue_indirect_dma source(%dma_start3A_74 : memref<62500x16xf32, #tpu.memory_space<hbm>>) target(%dma_start3A_69 : memref<128x16xf32, #tpu.memory_space<vmem>>) offsets(%dma_start3A_71 : memref<128xi32, #tpu.memory_space<vmem>>) semaphore(%arg13 : memref<!tpu.dma_semaphore, #tpu.memory_space<semaphore_mem>>)
      %dma_start3A_75 = arith.constant 256 : i32
      %dma_start3A_76 = arith.constant 0 : i32
      %dma_start3A_77 = tpu.memref_slice %arg10[%dma_start3A_75, %dma_start3A_76] : memref<512x16xf32, #tpu.memory_space<vmem>> -> memref<128x16xf32, #tpu.memory_space<vmem>>
      %dma_start3A_78 = arith.constant 256 : i32
      %dma_start3A_79 = tpu.memref_slice %arg8[%dma_start3A_78] : memref<512xi32, #tpu.memory_space<vmem>> -> memref<128xi32, #tpu.memory_space<vmem>>
      %dma_start3A_80 = arith.constant 0 : i32
      %dma_start3A_81 = arith.constant 0 : i32
      %dma_start3A_82 = tpu.memref_slice %arg3[%dma_start3A_80, %dma_start3A_81] : memref<62500x16xf32, #tpu.memory_space<hbm>> -> memref<62500x16xf32, #tpu.memory_space<hbm>>
      tpu.enqueue_indirect_dma source(%dma_start3A_82 : memref<62500x16xf32, #tpu.memory_space<hbm>>) target(%dma_start3A_77 : memref<128x16xf32, #tpu.memory_space<vmem>>) offsets(%dma_start3A_79 : memref<128xi32, #tpu.memory_space<vmem>>) semaphore(%arg13 : memref<!tpu.dma_semaphore, #tpu.memory_space<semaphore_mem>>)
      %dma_start3A_83 = arith.constant 384 : i32
      %dma_start3A_84 = arith.constant 0 : i32
      %dma_start3A_85 = tpu.memref_slice %arg10[%dma_start3A_83, %dma_start3A_84] : memref<512x16xf32, #tpu.memory_space<vmem>> -> memref<128x16xf32, #tpu.memory_space<vmem>>
      %dma_start3A_86 = arith.constant 384 : i32
      %dma_start3A_87 = tpu.memref_slice %arg8[%dma_start3A_86] : memref<512xi32, #tpu.memory_space<vmem>> -> memref<128xi32, #tpu.memory_space<vmem>>
      %dma_start3A_88 = arith.constant 0 : i32
      %dma_start3A_89 = arith.constant 0 : i32
      %dma_start3A_90 = tpu.memref_slice %arg3[%dma_start3A_88, %dma_start3A_89] : memref<62500x16xf32, #tpu.memory_space<hbm>> -> memref<62500x16xf32, #tpu.memory_space<hbm>>
      tpu.enqueue_indirect_dma source(%dma_start3A_90 : memref<62500x16xf32, #tpu.memory_space<hbm>>) target(%dma_start3A_85 : memref<128x16xf32, #tpu.memory_space<vmem>>) offsets(%dma_start3A_87 : memref<128xi32, #tpu.memory_space<vmem>>) semaphore(%arg13 : memref<!tpu.dma_semaphore, #tpu.memory_space<semaphore_mem>>)
      %dma_wait3A = arith.constant 0 : i32
      %dma_wait3A_91 = arith.constant 0 : i32
      %dma_wait3A_92 = arith.constant 0 : i32
      %dma_wait3A_93 = tpu.memref_slice %arg9[%dma_wait3A, %dma_wait3A_91, %dma_wait3A_92] : memref<4x128x32xf32, #tpu.memory_space<vmem>> -> memref<1x128x32xf32, #tpu.memory_space<vmem>>
      %dma_wait3A_94 = tpu.memref_squeeze %dma_wait3A_93 : memref<1x128x32xf32, #tpu.memory_space<vmem>> -> memref<128x32xf32, #tpu.memory_space<vmem>>
      %dma_wait3A_95 = arith.constant 0 : i32
      %dma_wait3A_96 = tpu.memref_slice %arg7[%dma_wait3A_95] : memref<512xi32, #tpu.memory_space<vmem>> -> memref<128xi32, #tpu.memory_space<vmem>>
      %dma_wait3A_97 = arith.constant 0 : i32
      %dma_wait3A_98 = arith.constant 0 : i32
      %dma_wait3A_99 = tpu.memref_slice %arg2[%dma_wait3A_97, %dma_wait3A_98] : memref<1000000x32xf32, #tpu.memory_space<hbm>> -> memref<1000000x32xf32, #tpu.memory_space<hbm>>
      tpu.wait_indirect_dma semaphore(%arg12 : memref<!tpu.dma_semaphore, #tpu.memory_space<semaphore_mem>>) src(%dma_wait3A_99 : memref<1000000x32xf32, #tpu.memory_space<hbm>>) dst(%dma_wait3A_94 : memref<128x32xf32, #tpu.memory_space<vmem>>)
      %dma_wait3A_100 = arith.constant 1 : i32
      %dma_wait3A_101 = arith.constant 0 : i32
      %dma_wait3A_102 = arith.constant 0 : i32
      %dma_wait3A_103 = tpu.memref_slice %arg9[%dma_wait3A_100, %dma_wait3A_101, %dma_wait3A_102] : memref<4x128x32xf32, #tpu.memory_space<vmem>> -> memref<1x128x32xf32, #tpu.memory_space<vmem>>
      %dma_wait3A_104 = tpu.memref_squeeze %dma_wait3A_103 : memref<1x128x32xf32, #tpu.memory_space<vmem>> -> memref<128x32xf32, #tpu.memory_space<vmem>>
      %dma_wait3A_105 = arith.constant 128 : i32
      %dma_wait3A_106 = tpu.memref_slice %arg7[%dma_wait3A_105] : memref<512xi32, #tpu.memory_space<vmem>> -> memref<128xi32, #tpu.memory_space<vmem>>
      %dma_wait3A_107 = arith.constant 0 : i32
      %dma_wait3A_108 = arith.constant 0 : i32
      %dma_wait3A_109 = tpu.memref_slice %arg2[%dma_wait3A_107, %dma_wait3A_108] : memref<1000000x32xf32, #tpu.memory_space<hbm>> -> memref<1000000x32xf32, #tpu.memory_space<hbm>>
      tpu.wait_indirect_dma semaphore(%arg12 : memref<!tpu.dma_semaphore, #tpu.memory_space<semaphore_mem>>) src(%dma_wait3A_109 : memref<1000000x32xf32, #tpu.memory_space<hbm>>) dst(%dma_wait3A_104 : memref<128x32xf32, #tpu.memory_space<vmem>>)
      %dma_wait3A_110 = arith.constant 2 : i32
      %dma_wait3A_111 = arith.constant 0 : i32
      %dma_wait3A_112 = arith.constant 0 : i32
      %dma_wait3A_113 = tpu.memref_slice %arg9[%dma_wait3A_110, %dma_wait3A_111, %dma_wait3A_112] : memref<4x128x32xf32, #tpu.memory_space<vmem>> -> memref<1x128x32xf32, #tpu.memory_space<vmem>>
      %dma_wait3A_114 = tpu.memref_squeeze %dma_wait3A_113 : memref<1x128x32xf32, #tpu.memory_space<vmem>> -> memref<128x32xf32, #tpu.memory_space<vmem>>
      %dma_wait3A_115 = arith.constant 256 : i32
      %dma_wait3A_116 = tpu.memref_slice %arg7[%dma_wait3A_115] : memref<512xi32, #tpu.memory_space<vmem>> -> memref<128xi32, #tpu.memory_space<vmem>>
      %dma_wait3A_117 = arith.constant 0 : i32
      %dma_wait3A_118 = arith.constant 0 : i32
      %dma_wait3A_119 = tpu.memref_slice %arg2[%dma_wait3A_117, %dma_wait3A_118] : memref<1000000x32xf32, #tpu.memory_space<hbm>> -> memref<1000000x32xf32, #tpu.memory_space<hbm>>
      tpu.wait_indirect_dma semaphore(%arg12 : memref<!tpu.dma_semaphore, #tpu.memory_space<semaphore_mem>>) src(%dma_wait3A_119 : memref<1000000x32xf32, #tpu.memory_space<hbm>>) dst(%dma_wait3A_114 : memref<128x32xf32, #tpu.memory_space<vmem>>)
      %dma_wait3A_120 = arith.constant 3 : i32
      %dma_wait3A_121 = arith.constant 0 : i32
      %dma_wait3A_122 = arith.constant 0 : i32
      %dma_wait3A_123 = tpu.memref_slice %arg9[%dma_wait3A_120, %dma_wait3A_121, %dma_wait3A_122] : memref<4x128x32xf32, #tpu.memory_space<vmem>> -> memref<1x128x32xf32, #tpu.memory_space<vmem>>
      %dma_wait3A_124 = tpu.memref_squeeze %dma_wait3A_123 : memref<1x128x32xf32, #tpu.memory_space<vmem>> -> memref<128x32xf32, #tpu.memory_space<vmem>>
      %dma_wait3A_125 = arith.constant 384 : i32
      %dma_wait3A_126 = tpu.memref_slice %arg7[%dma_wait3A_125] : memref<512xi32, #tpu.memory_space<vmem>> -> memref<128xi32, #tpu.memory_space<vmem>>
      %dma_wait3A_127 = arith.constant 0 : i32
      %dma_wait3A_128 = arith.constant 0 : i32
      %dma_wait3A_129 = tpu.memref_slice %arg2[%dma_wait3A_127, %dma_wait3A_128] : memref<1000000x32xf32, #tpu.memory_space<hbm>> -> memref<1000000x32xf32, #tpu.memory_space<hbm>>
      tpu.wait_indirect_dma semaphore(%arg12 : memref<!tpu.dma_semaphore, #tpu.memory_space<semaphore_mem>>) src(%dma_wait3A_129 : memref<1000000x32xf32, #tpu.memory_space<hbm>>) dst(%dma_wait3A_124 : memref<128x32xf32, #tpu.memory_space<vmem>>)
      %dma_wait3A_130 = arith.constant 0 : i32
      %dma_wait3A_131 = arith.constant 0 : i32
      %dma_wait3A_132 = tpu.memref_slice %arg10[%dma_wait3A_130, %dma_wait3A_131] : memref<512x16xf32, #tpu.memory_space<vmem>> -> memref<128x16xf32, #tpu.memory_space<vmem>>
      %dma_wait3A_133 = arith.constant 0 : i32
      %dma_wait3A_134 = tpu.memref_slice %arg8[%dma_wait3A_133] : memref<512xi32, #tpu.memory_space<vmem>> -> memref<128xi32, #tpu.memory_space<vmem>>
      %dma_wait3A_135 = arith.constant 0 : i32
      %dma_wait3A_136 = arith.constant 0 : i32
      %dma_wait3A_137 = tpu.memref_slice %arg3[%dma_wait3A_135, %dma_wait3A_136] : memref<62500x16xf32, #tpu.memory_space<hbm>> -> memref<62500x16xf32, #tpu.memory_space<hbm>>
      tpu.wait_indirect_dma semaphore(%arg13 : memref<!tpu.dma_semaphore, #tpu.memory_space<semaphore_mem>>) src(%dma_wait3A_137 : memref<62500x16xf32, #tpu.memory_space<hbm>>) dst(%dma_wait3A_132 : memref<128x16xf32, #tpu.memory_space<vmem>>)
      %dma_wait3A_138 = arith.constant 128 : i32
      %dma_wait3A_139 = arith.constant 0 : i32
      %dma_wait3A_140 = tpu.memref_slice %arg10[%dma_wait3A_138, %dma_wait3A_139] : memref<512x16xf32, #tpu.memory_space<vmem>> -> memref<128x16xf32, #tpu.memory_space<vmem>>
      %dma_wait3A_141 = arith.constant 128 : i32
      %dma_wait3A_142 = tpu.memref_slice %arg8[%dma_wait3A_141] : memref<512xi32, #tpu.memory_space<vmem>> -> memref<128xi32, #tpu.memory_space<vmem>>
      %dma_wait3A_143 = arith.constant 0 : i32
      %dma_wait3A_144 = arith.constant 0 : i32
      %dma_wait3A_145 = tpu.memref_slice %arg3[%dma_wait3A_143, %dma_wait3A_144] : memref<62500x16xf32, #tpu.memory_space<hbm>> -> memref<62500x16xf32, #tpu.memory_space<hbm>>
      tpu.wait_indirect_dma semaphore(%arg13 : memref<!tpu.dma_semaphore, #tpu.memory_space<semaphore_mem>>) src(%dma_wait3A_145 : memref<62500x16xf32, #tpu.memory_space<hbm>>) dst(%dma_wait3A_140 : memref<128x16xf32, #tpu.memory_space<vmem>>)
      %dma_wait3A_146 = arith.constant 256 : i32
      %dma_wait3A_147 = arith.constant 0 : i32
      %dma_wait3A_148 = tpu.memref_slice %arg10[%dma_wait3A_146, %dma_wait3A_147] : memref<512x16xf32, #tpu.memory_space<vmem>> -> memref<128x16xf32, #tpu.memory_space<vmem>>
      %dma_wait3A_149 = arith.constant 256 : i32
      %dma_wait3A_150 = tpu.memref_slice %arg8[%dma_wait3A_149] : memref<512xi32, #tpu.memory_space<vmem>> -> memref<128xi32, #tpu.memory_space<vmem>>
      %dma_wait3A_151 = arith.constant 0 : i32
      %dma_wait3A_152 = arith.constant 0 : i32
      %dma_wait3A_153 = tpu.memref_slice %arg3[%dma_wait3A_151, %dma_wait3A_152] : memref<62500x16xf32, #tpu.memory_space<hbm>> -> memref<62500x16xf32, #tpu.memory_space<hbm>>
      tpu.wait_indirect_dma semaphore(%arg13 : memref<!tpu.dma_semaphore, #tpu.memory_space<semaphore_mem>>) src(%dma_wait3A_153 : memref<62500x16xf32, #tpu.memory_space<hbm>>) dst(%dma_wait3A_148 : memref<128x16xf32, #tpu.memory_space<vmem>>)
      %dma_wait3A_154 = arith.constant 384 : i32
      %dma_wait3A_155 = arith.constant 0 : i32
      %dma_wait3A_156 = tpu.memref_slice %arg10[%dma_wait3A_154, %dma_wait3A_155] : memref<512x16xf32, #tpu.memory_space<vmem>> -> memref<128x16xf32, #tpu.memory_space<vmem>>
      %dma_wait3A_157 = arith.constant 384 : i32
      %dma_wait3A_158 = tpu.memref_slice %arg8[%dma_wait3A_157] : memref<512xi32, #tpu.memory_space<vmem>> -> memref<128xi32, #tpu.memory_space<vmem>>
      %dma_wait3A_159 = arith.constant 0 : i32
      %dma_wait3A_160 = arith.constant 0 : i32
      %dma_wait3A_161 = tpu.memref_slice %arg3[%dma_wait3A_159, %dma_wait3A_160] : memref<62500x16xf32, #tpu.memory_space<hbm>> -> memref<62500x16xf32, #tpu.memory_space<hbm>>
      tpu.wait_indirect_dma semaphore(%arg13 : memref<!tpu.dma_semaphore, #tpu.memory_space<semaphore_mem>>) src(%dma_wait3A_161 : memref<62500x16xf32, #tpu.memory_space<hbm>>) dst(%dma_wait3A_156 : memref<128x16xf32, #tpu.memory_space<vmem>>)
      %scan3A_162 = arith.constant 0 : i32
      %scan3A_163 = arith.constant 0 : i32
      %scan3A_164 = arith.constant 32 : i32
      %scan3A_165 = arith.addi %scan3A_163, %scan3A_164 : i32
      %scan3A_166 = arith.constant 1 : i32
      scf.for %scan3A_168 = %scan3A_163 to %scan3A_165 step %scan3A_166  : i32 {
        %mul3A_169 = arith.constant 16 : i32
        %mul3A_170 = arith.muli %scan3A_168, %mul3A_169 : i32
        %get3A = arith.index_cast %mul3A_170 : i32 to index
        %get3A_171 = tpu.vector_load %arg7[%get3A] {strides = array<i32>} : memref<512xi32, #tpu.memory_space<vmem>>, vector<16xi32>,
        %and3A = arith.constant 15 : i32
        %and3A_172 = vector.broadcast %and3A : i32 to vector<16xi32>
        %and3A_173 = arith.andi %get3A_171, %and3A_172 : vector<16xi32>
        %mul3A_174 = arith.constant 16 : i32
        %mul3A_175 = arith.muli %scan3A_168, %mul3A_174 : i32
        %add3A_176 = vector.broadcast %mul3A_175 : i32 to vector<16xi32>
        %add3A_177 = arith.addi %add3A_176, %iota3A : vector<16xi32>
        %gather3A = tpu.vector_load_idx %arg10[%add3A_177, %and3A_173] : memref<512x16xf32, #tpu.memory_space<vmem>>[vector<16xi32>, vector<16xi32>], vector<16xf32>,
        %mul3A_178 = arith.constant 16 : i32
        %mul3A_179 = arith.muli %scan3A_168, %mul3A_178 : i32
        %swap3A = arith.index_cast %mul3A_179 : i32 to index
        %swap3A_180 = tpu.vector_load %arg11[%swap3A] {strides = array<i32>} : memref<512xf32, #tpu.memory_space<vmem>>, vector<16xf32>,
        tpu.vector_store %arg11[%swap3A], %gather3A {strides = array<i32>} : memref<512xf32, #tpu.memory_space<vmem>>, vector<16xf32>,
      }
      %scan3A_167 = arith.constant 32 : i32
      "tpu.region"() ({
        %run_scoped3A = tpu.sem_alloc : memref<!tpu.dma_semaphore, #tpu.memory_space<semaphore_mem>>
        %dma_start3A_168 = arith.constant 0 : i32
        %dma_start3A_169 = arith.constant 0 : i32
        %dma_start3A_170 = tpu.memref_slice %arg5[%add3A_11, %dma_start3A_168, %dma_start3A_169] : memref<1664x128x32xf32, #tpu.memory_space<hbm>> -> memref<4x128x32xf32, #tpu.memory_space<hbm>>
        %dma_start3A_171 = arith.constant 0 : i32
        %dma_start3A_172 = arith.constant 0 : i32
        %dma_start3A_173 = tpu.memref_slice %arg5[%add3A_11, %dma_start3A_171, %dma_start3A_172] : memref<1664x128x32xf32, #tpu.memory_space<hbm>> -> memref<4x128x32xf32, #tpu.memory_space<hbm>>
        tpu.enqueue_dma source(%arg9 : memref<4x128x32xf32, #tpu.memory_space<vmem>>) target(%dma_start3A_173 : memref<4x128x32xf32, #tpu.memory_space<hbm>>) target_semaphore(%run_scoped3A : memref<!tpu.dma_semaphore, #tpu.memory_space<semaphore_mem>>)
        %dma_wait3A_174 = arith.constant 0 : i32
        %dma_wait3A_175 = arith.constant 0 : i32
        %dma_wait3A_176 = tpu.memref_slice %arg5[%add3A_11, %dma_wait3A_174, %dma_wait3A_175] : memref<1664x128x32xf32, #tpu.memory_space<hbm>> -> memref<4x128x32xf32, #tpu.memory_space<hbm>>
        %dma_wait3A_177 = arith.constant 0 : i32
        %dma_wait3A_178 = arith.constant 0 : i32
        %dma_wait3A_179 = tpu.memref_slice %arg5[%add3A_11, %dma_wait3A_177, %dma_wait3A_178] : memref<1664x128x32xf32, #tpu.memory_space<hbm>> -> memref<4x128x32xf32, #tpu.memory_space<hbm>>
        tpu.wait_dma2 semaphore(%run_scoped3A : memref<!tpu.dma_semaphore, #tpu.memory_space<semaphore_mem>>) src(%arg9 : memref<4x128x32xf32, #tpu.memory_space<vmem>>) dst(%dma_wait3A_179 : memref<4x128x32xf32, #tpu.memory_space<hbm>>)
        tpu.yield
      }) : () -> ()
      "tpu.region"() ({
        %run_scoped3A = tpu.sem_alloc : memref<!tpu.dma_semaphore, #tpu.memory_space<semaphore_mem>>
        %dma_start3A_168 = tpu.memref_slice %arg6[%mul3A_13] : memref<212992xf32, #tpu.memory_space<hbm>> -> memref<512xf32, #tpu.memory_space<hbm>>
        %dma_start3A_169 = tpu.memref_slice %arg6[%mul3A_13] : memref<212992xf32, #tpu.memory_space<hbm>> -> memref<512xf32, #tpu.memory_space<hbm>>
        tpu.enqueue_dma source(%arg11 : memref<512xf32, #tpu.memory_space<vmem>>) target(%dma_start3A_169 : memref<512xf32, #tpu.memory_space<hbm>>) target_semaphore(%run_scoped3A : memref<!tpu.dma_semaphore, #tpu.memory_space<semaphore_mem>>)
        %dma_wait3A_170 = tpu.memref_slice %arg6[%mul3A_13] : memref<212992xf32, #tpu.memory_space<hbm>> -> memref<512xf32, #tpu.memory_space<hbm>>
        %dma_wait3A_171 = tpu.memref_slice %arg6[%mul3A_13] : memref<212992xf32, #tpu.memory_space<hbm>> -> memref<512xf32, #tpu.memory_space<hbm>>
        tpu.wait_dma2 semaphore(%run_scoped3A : memref<!tpu.dma_semaphore, #tpu.memory_space<semaphore_mem>>) src(%arg11 : memref<512xf32, #tpu.memory_space<vmem>>) dst(%dma_wait3A_171 : memref<512xf32, #tpu.memory_space<hbm>>)
        tpu.yield
      }) : () -> ()
    }
    %scan3A_7 = arith.constant 13 : i32
    return
  }
}

#map = affine_map<(d0, d1) -> (0, 0)>
#map1 = affine_map<(d0, d1) -> (0)>
#map2 = affine_map<(d0, d1) -> (0, 0, 0)>
module attributes {stable_mosaic.version = 14 : i64} {
  func.func @sc_gather(%arg0: i32, %arg1: i32, %arg2: memref<1000000x32xf32, #tpu.memory_space<hbm>>, %arg3: memref<62500x16xf32, #tpu.memory_space<hbm>>, %arg4: memref<212992xi32, #tpu.memory_space<hbm>>, %arg5: memref<1664x128x32xf32, #tpu.memory_space<hbm>>, %arg6: memref<212992xf32, #tpu.memory_space<hbm>>, %arg7: memref<512xi32, #tpu.memory_space<vmem>>, %arg8: memref<512xi32, #tpu.memory_space<vmem>>, %arg9: memref<4x128x32xf32, #tpu.memory_space<vmem>>, %arg10: memref<512x16xf32, #tpu.memory_space<vmem>>, %arg11: memref<512xf32, #tpu.memory_space<vmem>>, %arg12: memref<!tpu.dma_semaphore, #tpu.memory_space<semaphore_mem>>, %arg13: memref<!tpu.dma_semaphore, #tpu.memory_space<semaphore_mem>>) attributes {dimension_semantics = [#tpu.dimension_semantics<core_parallel>, #tpu.dimension_semantics<subcore_parallel>], iteration_bounds = array<i64: 2, 16>, scalar_prefetch = 0 : i64, scratch_operands = 7 : i64, tpu.core_type = #tpu.core_type<sc_vector_subcore>, window_params = [{transform_indices = #map}, {transform_indices = #map}, {transform_indices = #map1}, {transform_indices = #map2}, {transform_indices = #map1}]} {
    %mul3A = arith.constant 2 : i32
    %mul3A_0 = arith.muli %arg1, %mul3A : i32
    %add3A = arith.addi %mul3A_0, %arg0 : i32
    %mul3A_1 = arith.constant 52 : i32
    %mul3A_2 = arith.muli %add3A, %mul3A_1 : i32
    %iota3A = tpu.iota {dimensions = array<i32: 0>} : vector<16xi32>
    %scan3A = arith.constant 0 : i32
    %scan3A_3 = arith.constant 0 : i32
    %scan3A_4 = arith.constant 13 : i32
    %scan3A_5 = arith.addi %scan3A_3, %scan3A_4 : i32
    %scan3A_6 = arith.constant 1 : i32
    scf.for %scan3A_8 = %scan3A_3 to %scan3A_5 step %scan3A_6  : i32 {
      %mul3A_9 = arith.constant 4 : i32
      %mul3A_10 = arith.muli %scan3A_8, %mul3A_9 : i32
      %add3A_11 = arith.addi %mul3A_2, %mul3A_10 : i32
      %mul3A_12 = arith.constant 128 : i32
      %mul3A_13 = arith.muli %add3A_11, %mul3A_12 : i32
      "tpu.region"() ({
        %run_scoped3A = tpu.sem_alloc : memref<!tpu.dma_semaphore, #tpu.memory_space<semaphore_mem>>
        %dma_start3A_168 = tpu.memref_slice %arg4[%mul3A_13] : memref<212992xi32, #tpu.memory_space<hbm>> -> memref<512xi32, #tpu.memory_space<hbm>>
        %dma_start3A_169 = tpu.memref_slice %arg4[%mul3A_13] : memref<212992xi32, #tpu.memory_space<hbm>> -> memref<512xi32, #tpu.memory_space<hbm>>
        tpu.enqueue_dma source(%dma_start3A_169 : memref<512xi32, #tpu.memory_space<hbm>>) target(%arg7 : memref<512xi32, #tpu.memory_space<vmem>>) target_semaphore(%run_scoped3A : memref<!tpu.dma_semaphore, #tpu.memory_space<semaphore_mem>>)
        %dma_wait3A_170 = tpu.memref_slice %arg4[%mul3A_13] : memref<212992xi32, #tpu.memory_space<hbm>> -> memref<512xi32, #tpu.memory_space<hbm>>
        %dma_wait3A_171 = tpu.memref_slice %arg4[%mul3A_13] : memref<212992xi32, #tpu.memory_space<hbm>> -> memref<512xi32, #tpu.memory_space<hbm>>
        tpu.wait_dma2 semaphore(%run_scoped3A : memref<!tpu.dma_semaphore, #tpu.memory_space<semaphore_mem>>) src(%dma_wait3A_171 : memref<512xi32, #tpu.memory_space<hbm>>) dst(%arg7 : memref<512xi32, #tpu.memory_space<vmem>>)
        tpu.yield
      }) : () -> ()
      %dma_start3A = arith.constant 0 : i32
      %dma_start3A_14 = arith.constant 0 : i32
      %dma_start3A_15 = arith.constant 0 : i32
      %dma_start3A_16 = tpu.memref_slice %arg9[%dma_start3A, %dma_start3A_14, %dma_start3A_15] : memref<4x128x32xf32, #tpu.memory_space<vmem>> -> memref<1x128x32xf32, #tpu.memory_space<vmem>>
      %dma_start3A_17 = tpu.memref_squeeze %dma_start3A_16 : memref<1x128x32xf32, #tpu.memory_space<vmem>> -> memref<128x32xf32, #tpu.memory_space<vmem>>
      %dma_start3A_18 = arith.constant 0 : i32
      %dma_start3A_19 = tpu.memref_slice %arg7[%dma_start3A_18] : memref<512xi32, #tpu.memory_space<vmem>> -> memref<128xi32, #tpu.memory_space<vmem>>
      %dma_start3A_20 = arith.constant 0 : i32
      %dma_start3A_21 = arith.constant 0 : i32
      %dma_start3A_22 = tpu.memref_slice %arg2[%dma_start3A_20, %dma_start3A_21] : memref<1000000x32xf32, #tpu.memory_space<hbm>> -> memref<1000000x32xf32, #tpu.memory_space<hbm>>
      tpu.enqueue_indirect_dma source(%dma_start3A_22 : memref<1000000x32xf32, #tpu.memory_space<hbm>>) target(%dma_start3A_17 : memref<128x32xf32, #tpu.memory_space<vmem>>) offsets(%dma_start3A_19 : memref<128xi32, #tpu.memory_space<vmem>>) semaphore(%arg12 : memref<!tpu.dma_semaphore, #tpu.memory_space<semaphore_mem>>)
      %dma_start3A_23 = arith.constant 1 : i32
      %dma_start3A_24 = arith.constant 0 : i32
      %dma_start3A_25 = arith.constant 0 : i32
      %dma_start3A_26 = tpu.memref_slice %arg9[%dma_start3A_23, %dma_start3A_24, %dma_start3A_25] : memref<4x128x32xf32, #tpu.memory_space<vmem>> -> memref<1x128x32xf32, #tpu.memory_space<vmem>>
      %dma_start3A_27 = tpu.memref_squeeze %dma_start3A_26 : memref<1x128x32xf32, #tpu.memory_space<vmem>> -> memref<128x32xf32, #tpu.memory_space<vmem>>
      %dma_start3A_28 = arith.constant 128 : i32
      %dma_start3A_29 = tpu.memref_slice %arg7[%dma_start3A_28] : memref<512xi32, #tpu.memory_space<vmem>> -> memref<128xi32, #tpu.memory_space<vmem>>
      %dma_start3A_30 = arith.constant 0 : i32
      %dma_start3A_31 = arith.constant 0 : i32
      %dma_start3A_32 = tpu.memref_slice %arg2[%dma_start3A_30, %dma_start3A_31] : memref<1000000x32xf32, #tpu.memory_space<hbm>> -> memref<1000000x32xf32, #tpu.memory_space<hbm>>
      tpu.enqueue_indirect_dma source(%dma_start3A_32 : memref<1000000x32xf32, #tpu.memory_space<hbm>>) target(%dma_start3A_27 : memref<128x32xf32, #tpu.memory_space<vmem>>) offsets(%dma_start3A_29 : memref<128xi32, #tpu.memory_space<vmem>>) semaphore(%arg12 : memref<!tpu.dma_semaphore, #tpu.memory_space<semaphore_mem>>)
      %dma_start3A_33 = arith.constant 2 : i32
      %dma_start3A_34 = arith.constant 0 : i32
      %dma_start3A_35 = arith.constant 0 : i32
      %dma_start3A_36 = tpu.memref_slice %arg9[%dma_start3A_33, %dma_start3A_34, %dma_start3A_35] : memref<4x128x32xf32, #tpu.memory_space<vmem>> -> memref<1x128x32xf32, #tpu.memory_space<vmem>>
      %dma_start3A_37 = tpu.memref_squeeze %dma_start3A_36 : memref<1x128x32xf32, #tpu.memory_space<vmem>> -> memref<128x32xf32, #tpu.memory_space<vmem>>
      %dma_start3A_38 = arith.constant 256 : i32
      %dma_start3A_39 = tpu.memref_slice %arg7[%dma_start3A_38] : memref<512xi32, #tpu.memory_space<vmem>> -> memref<128xi32, #tpu.memory_space<vmem>>
      %dma_start3A_40 = arith.constant 0 : i32
      %dma_start3A_41 = arith.constant 0 : i32
      %dma_start3A_42 = tpu.memref_slice %arg2[%dma_start3A_40, %dma_start3A_41] : memref<1000000x32xf32, #tpu.memory_space<hbm>> -> memref<1000000x32xf32, #tpu.memory_space<hbm>>
      tpu.enqueue_indirect_dma source(%dma_start3A_42 : memref<1000000x32xf32, #tpu.memory_space<hbm>>) target(%dma_start3A_37 : memref<128x32xf32, #tpu.memory_space<vmem>>) offsets(%dma_start3A_39 : memref<128xi32, #tpu.memory_space<vmem>>) semaphore(%arg12 : memref<!tpu.dma_semaphore, #tpu.memory_space<semaphore_mem>>)
      %dma_start3A_43 = arith.constant 3 : i32
      %dma_start3A_44 = arith.constant 0 : i32
      %dma_start3A_45 = arith.constant 0 : i32
      %dma_start3A_46 = tpu.memref_slice %arg9[%dma_start3A_43, %dma_start3A_44, %dma_start3A_45] : memref<4x128x32xf32, #tpu.memory_space<vmem>> -> memref<1x128x32xf32, #tpu.memory_space<vmem>>
      %dma_start3A_47 = tpu.memref_squeeze %dma_start3A_46 : memref<1x128x32xf32, #tpu.memory_space<vmem>> -> memref<128x32xf32, #tpu.memory_space<vmem>>
      %dma_start3A_48 = arith.constant 384 : i32
      %dma_start3A_49 = tpu.memref_slice %arg7[%dma_start3A_48] : memref<512xi32, #tpu.memory_space<vmem>> -> memref<128xi32, #tpu.memory_space<vmem>>
      %dma_start3A_50 = arith.constant 0 : i32
      %dma_start3A_51 = arith.constant 0 : i32
      %dma_start3A_52 = tpu.memref_slice %arg2[%dma_start3A_50, %dma_start3A_51] : memref<1000000x32xf32, #tpu.memory_space<hbm>> -> memref<1000000x32xf32, #tpu.memory_space<hbm>>
      tpu.enqueue_indirect_dma source(%dma_start3A_52 : memref<1000000x32xf32, #tpu.memory_space<hbm>>) target(%dma_start3A_47 : memref<128x32xf32, #tpu.memory_space<vmem>>) offsets(%dma_start3A_49 : memref<128xi32, #tpu.memory_space<vmem>>) semaphore(%arg12 : memref<!tpu.dma_semaphore, #tpu.memory_space<semaphore_mem>>)
      %scan3A_53 = arith.constant 0 : i32
      %scan3A_54 = arith.constant 0 : i32
      %scan3A_55 = arith.constant 32 : i32
      %scan3A_56 = arith.addi %scan3A_54, %scan3A_55 : i32
      %scan3A_57 = arith.constant 1 : i32
      scf.for %scan3A_168 = %scan3A_54 to %scan3A_56 step %scan3A_57  : i32 {
        %mul3A_169 = arith.constant 16 : i32
        %mul3A_170 = arith.muli %scan3A_168, %mul3A_169 : i32
        %get3A = arith.index_cast %mul3A_170 : i32 to index
        %get3A_171 = tpu.vector_load %arg7[%get3A] {strides = array<i32>} : memref<512xi32, #tpu.memory_space<vmem>>, vector<16xi32>,
        %shift_right_arithmetic3A = arith.constant 4 : i32
        %shift_right_arithmetic3A_172 = vector.broadcast %shift_right_arithmetic3A : i32 to vector<16xi32>
        %shift_right_arithmetic3A_173 = arith.shrsi %get3A_171, %shift_right_arithmetic3A_172 : vector<16xi32>
        %mul3A_174 = arith.constant 16 : i32
        %mul3A_175 = arith.muli %scan3A_168, %mul3A_174 : i32
        %swap3A = arith.index_cast %mul3A_175 : i32 to index
        %swap3A_176 = tpu.vector_load %arg8[%swap3A] {strides = array<i32>} : memref<512xi32, #tpu.memory_space<vmem>>, vector<16xi32>,
        tpu.vector_store %arg8[%swap3A], %shift_right_arithmetic3A_173 {strides = array<i32>} : memref<512xi32, #tpu.memory_space<vmem>>, vector<16xi32>,
      }
      %scan3A_58 = arith.constant 32 : i32
      %dma_start3A_59 = arith.constant 0 : i32
      %dma_start3A_60 = arith.constant 0 : i32
      %dma_start3A_61 = tpu.memref_slice %arg10[%dma_start3A_59, %dma_start3A_60] : memref<512x16xf32, #tpu.memory_space<vmem>> -> memref<128x16xf32, #tpu.memory_space<vmem>>
      %dma_start3A_62 = arith.constant 0 : i32
      %dma_start3A_63 = tpu.memref_slice %arg8[%dma_start3A_62] : memref<512xi32, #tpu.memory_space<vmem>> -> memref<128xi32, #tpu.memory_space<vmem>>
      %dma_start3A_64 = arith.constant 0 : i32
      %dma_start3A_65 = arith.constant 0 : i32
      %dma_start3A_66 = tpu.memref_slice %arg3[%dma_start3A_64, %dma_start3A_65] : memref<62500x16xf32, #tpu.memory_space<hbm>> -> memref<62500x16xf32, #tpu.memory_space<hbm>>
      tpu.enqueue_indirect_dma source(%dma_start3A_66 : memref<62500x16xf32, #tpu.memory_space<hbm>>) target(%dma_start3A_61 : memref<128x16xf32, #tpu.memory_space<vmem>>) offsets(%dma_start3A_63 : memref<128xi32, #tpu.memory_space<vmem>>) semaphore(%arg13 : memref<!tpu.dma_semaphore, #tpu.memory_space<semaphore_mem>>)
      %dma_start3A_67 = arith.constant 128 : i32
      %dma_start3A_68 = arith.constant 0 : i32
      %dma_start3A_69 = tpu.memref_slice %arg10[%dma_start3A_67, %dma_start3A_68] : memref<512x16xf32, #tpu.memory_space<vmem>> -> memref<128x16xf32, #tpu.memory_space<vmem>>
      %dma_start3A_70 = arith.constant 128 : i32
      %dma_start3A_71 = tpu.memref_slice %arg8[%dma_start3A_70] : memref<512xi32, #tpu.memory_space<vmem>> -> memref<128xi32, #tpu.memory_space<vmem>>
      %dma_start3A_72 = arith.constant 0 : i32
      %dma_start3A_73 = arith.constant 0 : i32
      %dma_start3A_74 = tpu.memref_slice %arg3[%dma_start3A_72, %dma_start3A_73] : memref<62500x16xf32, #tpu.memory_space<hbm>> -> memref<62500x16xf32, #tpu.memory_space<hbm>>
      tpu.enqueue_indirect_dma source(%dma_start3A_74 : memref<62500x16xf32, #tpu.memory_space<hbm>>) target(%dma_start3A_69 : memref<128x16xf32, #tpu.memory_space<vmem>>) offsets(%dma_start3A_71 : memref<128xi32, #tpu.memory_space<vmem>>) semaphore(%arg13 : memref<!tpu.dma_semaphore, #tpu.memory_space<semaphore_mem>>)
      %dma_start3A_75 = arith.constant 256 : i32
      %dma_start3A_76 = arith.constant 0 : i32
      %dma_start3A_77 = tpu.memref_slice %arg10[%dma_start3A_75, %dma_start3A_76] : memref<512x16xf32, #tpu.memory_space<vmem>> -> memref<128x16xf32, #tpu.memory_space<vmem>>
      %dma_start3A_78 = arith.constant 256 : i32
      %dma_start3A_79 = tpu.memref_slice %arg8[%dma_start3A_78] : memref<512xi32, #tpu.memory_space<vmem>> -> memref<128xi32, #tpu.memory_space<vmem>>
      %dma_start3A_80 = arith.constant 0 : i32
      %dma_start3A_81 = arith.constant 0 : i32
      %dma_start3A_82 = tpu.memref_slice %arg3[%dma_start3A_80, %dma_start3A_81] : memref<62500x16xf32, #tpu.memory_space<hbm>> -> memref<62500x16xf32, #tpu.memory_space<hbm>>
      tpu.enqueue_indirect_dma source(%dma_start3A_82 : memref<62500x16xf32, #tpu.memory_space<hbm>>) target(%dma_start3A_77 : memref<128x16xf32, #tpu.memory_space<vmem>>) offsets(%dma_start3A_79 : memref<128xi32, #tpu.memory_space<vmem>>) semaphore(%arg13 : memref<!tpu.dma_semaphore, #tpu.memory_space<semaphore_mem>>)
      %dma_start3A_83 = arith.constant 384 : i32
      %dma_start3A_84 = arith.constant 0 : i32
      %dma_start3A_85 = tpu.memref_slice %arg10[%dma_start3A_83, %dma_start3A_84] : memref<512x16xf32, #tpu.memory_space<vmem>> -> memref<128x16xf32, #tpu.memory_space<vmem>>
      %dma_start3A_86 = arith.constant 384 : i32
      %dma_start3A_87 = tpu.memref_slice %arg8[%dma_start3A_86] : memref<512xi32, #tpu.memory_space<vmem>> -> memref<128xi32, #tpu.memory_space<vmem>>
      %dma_start3A_88 = arith.constant 0 : i32
      %dma_start3A_89 = arith.constant 0 : i32
      %dma_start3A_90 = tpu.memref_slice %arg3[%dma_start3A_88, %dma_start3A_89] : memref<62500x16xf32, #tpu.memory_space<hbm>> -> memref<62500x16xf32, #tpu.memory_space<hbm>>
      tpu.enqueue_indirect_dma source(%dma_start3A_90 : memref<62500x16xf32, #tpu.memory_space<hbm>>) target(%dma_start3A_85 : memref<128x16xf32, #tpu.memory_space<vmem>>) offsets(%dma_start3A_87 : memref<128xi32, #tpu.memory_space<vmem>>) semaphore(%arg13 : memref<!tpu.dma_semaphore, #tpu.memory_space<semaphore_mem>>)
      %dma_wait3A = arith.constant 0 : i32
      %dma_wait3A_91 = arith.constant 0 : i32
      %dma_wait3A_92 = arith.constant 0 : i32
      %dma_wait3A_93 = tpu.memref_slice %arg9[%dma_wait3A, %dma_wait3A_91, %dma_wait3A_92] : memref<4x128x32xf32, #tpu.memory_space<vmem>> -> memref<1x128x32xf32, #tpu.memory_space<vmem>>
      %dma_wait3A_94 = tpu.memref_squeeze %dma_wait3A_93 : memref<1x128x32xf32, #tpu.memory_space<vmem>> -> memref<128x32xf32, #tpu.memory_space<vmem>>
      %dma_wait3A_95 = arith.constant 0 : i32
      %dma_wait3A_96 = tpu.memref_slice %arg7[%dma_wait3A_95] : memref<512xi32, #tpu.memory_space<vmem>> -> memref<128xi32, #tpu.memory_space<vmem>>
      %dma_wait3A_97 = arith.constant 0 : i32
      %dma_wait3A_98 = arith.constant 0 : i32
      %dma_wait3A_99 = tpu.memref_slice %arg2[%dma_wait3A_97, %dma_wait3A_98] : memref<1000000x32xf32, #tpu.memory_space<hbm>> -> memref<1000000x32xf32, #tpu.memory_space<hbm>>
      tpu.wait_indirect_dma semaphore(%arg12 : memref<!tpu.dma_semaphore, #tpu.memory_space<semaphore_mem>>) src(%dma_wait3A_99 : memref<1000000x32xf32, #tpu.memory_space<hbm>>) dst(%dma_wait3A_94 : memref<128x32xf32, #tpu.memory_space<vmem>>)
      %dma_wait3A_100 = arith.constant 1 : i32
      %dma_wait3A_101 = arith.constant 0 : i32
      %dma_wait3A_102 = arith.constant 0 : i32
      %dma_wait3A_103 = tpu.memref_slice %arg9[%dma_wait3A_100, %dma_wait3A_101, %dma_wait3A_102] : memref<4x128x32xf32, #tpu.memory_space<vmem>> -> memref<1x128x32xf32, #tpu.memory_space<vmem>>
      %dma_wait3A_104 = tpu.memref_squeeze %dma_wait3A_103 : memref<1x128x32xf32, #tpu.memory_space<vmem>> -> memref<128x32xf32, #tpu.memory_space<vmem>>
      %dma_wait3A_105 = arith.constant 128 : i32
      %dma_wait3A_106 = tpu.memref_slice %arg7[%dma_wait3A_105] : memref<512xi32, #tpu.memory_space<vmem>> -> memref<128xi32, #tpu.memory_space<vmem>>
      %dma_wait3A_107 = arith.constant 0 : i32
      %dma_wait3A_108 = arith.constant 0 : i32
      %dma_wait3A_109 = tpu.memref_slice %arg2[%dma_wait3A_107, %dma_wait3A_108] : memref<1000000x32xf32, #tpu.memory_space<hbm>> -> memref<1000000x32xf32, #tpu.memory_space<hbm>>
      tpu.wait_indirect_dma semaphore(%arg12 : memref<!tpu.dma_semaphore, #tpu.memory_space<semaphore_mem>>) src(%dma_wait3A_109 : memref<1000000x32xf32, #tpu.memory_space<hbm>>) dst(%dma_wait3A_104 : memref<128x32xf32, #tpu.memory_space<vmem>>)
      %dma_wait3A_110 = arith.constant 2 : i32
      %dma_wait3A_111 = arith.constant 0 : i32
      %dma_wait3A_112 = arith.constant 0 : i32
      %dma_wait3A_113 = tpu.memref_slice %arg9[%dma_wait3A_110, %dma_wait3A_111, %dma_wait3A_112] : memref<4x128x32xf32, #tpu.memory_space<vmem>> -> memref<1x128x32xf32, #tpu.memory_space<vmem>>
      %dma_wait3A_114 = tpu.memref_squeeze %dma_wait3A_113 : memref<1x128x32xf32, #tpu.memory_space<vmem>> -> memref<128x32xf32, #tpu.memory_space<vmem>>
      %dma_wait3A_115 = arith.constant 256 : i32
      %dma_wait3A_116 = tpu.memref_slice %arg7[%dma_wait3A_115] : memref<512xi32, #tpu.memory_space<vmem>> -> memref<128xi32, #tpu.memory_space<vmem>>
      %dma_wait3A_117 = arith.constant 0 : i32
      %dma_wait3A_118 = arith.constant 0 : i32
      %dma_wait3A_119 = tpu.memref_slice %arg2[%dma_wait3A_117, %dma_wait3A_118] : memref<1000000x32xf32, #tpu.memory_space<hbm>> -> memref<1000000x32xf32, #tpu.memory_space<hbm>>
      tpu.wait_indirect_dma semaphore(%arg12 : memref<!tpu.dma_semaphore, #tpu.memory_space<semaphore_mem>>) src(%dma_wait3A_119 : memref<1000000x32xf32, #tpu.memory_space<hbm>>) dst(%dma_wait3A_114 : memref<128x32xf32, #tpu.memory_space<vmem>>)
      %dma_wait3A_120 = arith.constant 3 : i32
      %dma_wait3A_121 = arith.constant 0 : i32
      %dma_wait3A_122 = arith.constant 0 : i32
      %dma_wait3A_123 = tpu.memref_slice %arg9[%dma_wait3A_120, %dma_wait3A_121, %dma_wait3A_122] : memref<4x128x32xf32, #tpu.memory_space<vmem>> -> memref<1x128x32xf32, #tpu.memory_space<vmem>>
      %dma_wait3A_124 = tpu.memref_squeeze %dma_wait3A_123 : memref<1x128x32xf32, #tpu.memory_space<vmem>> -> memref<128x32xf32, #tpu.memory_space<vmem>>
      %dma_wait3A_125 = arith.constant 384 : i32
      %dma_wait3A_126 = tpu.memref_slice %arg7[%dma_wait3A_125] : memref<512xi32, #tpu.memory_space<vmem>> -> memref<128xi32, #tpu.memory_space<vmem>>
      %dma_wait3A_127 = arith.constant 0 : i32
      %dma_wait3A_128 = arith.constant 0 : i32
      %dma_wait3A_129 = tpu.memref_slice %arg2[%dma_wait3A_127, %dma_wait3A_128] : memref<1000000x32xf32, #tpu.memory_space<hbm>> -> memref<1000000x32xf32, #tpu.memory_space<hbm>>
      tpu.wait_indirect_dma semaphore(%arg12 : memref<!tpu.dma_semaphore, #tpu.memory_space<semaphore_mem>>) src(%dma_wait3A_129 : memref<1000000x32xf32, #tpu.memory_space<hbm>>) dst(%dma_wait3A_124 : memref<128x32xf32, #tpu.memory_space<vmem>>)
      %dma_wait3A_130 = arith.constant 0 : i32
      %dma_wait3A_131 = arith.constant 0 : i32
      %dma_wait3A_132 = tpu.memref_slice %arg10[%dma_wait3A_130, %dma_wait3A_131] : memref<512x16xf32, #tpu.memory_space<vmem>> -> memref<128x16xf32, #tpu.memory_space<vmem>>
      %dma_wait3A_133 = arith.constant 0 : i32
      %dma_wait3A_134 = tpu.memref_slice %arg8[%dma_wait3A_133] : memref<512xi32, #tpu.memory_space<vmem>> -> memref<128xi32, #tpu.memory_space<vmem>>
      %dma_wait3A_135 = arith.constant 0 : i32
      %dma_wait3A_136 = arith.constant 0 : i32
      %dma_wait3A_137 = tpu.memref_slice %arg3[%dma_wait3A_135, %dma_wait3A_136] : memref<62500x16xf32, #tpu.memory_space<hbm>> -> memref<62500x16xf32, #tpu.memory_space<hbm>>
      tpu.wait_indirect_dma semaphore(%arg13 : memref<!tpu.dma_semaphore, #tpu.memory_space<semaphore_mem>>) src(%dma_wait3A_137 : memref<62500x16xf32, #tpu.memory_space<hbm>>) dst(%dma_wait3A_132 : memref<128x16xf32, #tpu.memory_space<vmem>>)
      %dma_wait3A_138 = arith.constant 128 : i32
      %dma_wait3A_139 = arith.constant 0 : i32
      %dma_wait3A_140 = tpu.memref_slice %arg10[%dma_wait3A_138, %dma_wait3A_139] : memref<512x16xf32, #tpu.memory_space<vmem>> -> memref<128x16xf32, #tpu.memory_space<vmem>>
      %dma_wait3A_141 = arith.constant 128 : i32
      %dma_wait3A_142 = tpu.memref_slice %arg8[%dma_wait3A_141] : memref<512xi32, #tpu.memory_space<vmem>> -> memref<128xi32, #tpu.memory_space<vmem>>
      %dma_wait3A_143 = arith.constant 0 : i32
      %dma_wait3A_144 = arith.constant 0 : i32
      %dma_wait3A_145 = tpu.memref_slice %arg3[%dma_wait3A_143, %dma_wait3A_144] : memref<62500x16xf32, #tpu.memory_space<hbm>> -> memref<62500x16xf32, #tpu.memory_space<hbm>>
      tpu.wait_indirect_dma semaphore(%arg13 : memref<!tpu.dma_semaphore, #tpu.memory_space<semaphore_mem>>) src(%dma_wait3A_145 : memref<62500x16xf32, #tpu.memory_space<hbm>>) dst(%dma_wait3A_140 : memref<128x16xf32, #tpu.memory_space<vmem>>)
      %dma_wait3A_146 = arith.constant 256 : i32
      %dma_wait3A_147 = arith.constant 0 : i32
      %dma_wait3A_148 = tpu.memref_slice %arg10[%dma_wait3A_146, %dma_wait3A_147] : memref<512x16xf32, #tpu.memory_space<vmem>> -> memref<128x16xf32, #tpu.memory_space<vmem>>
      %dma_wait3A_149 = arith.constant 256 : i32
      %dma_wait3A_150 = tpu.memref_slice %arg8[%dma_wait3A_149] : memref<512xi32, #tpu.memory_space<vmem>> -> memref<128xi32, #tpu.memory_space<vmem>>
      %dma_wait3A_151 = arith.constant 0 : i32
      %dma_wait3A_152 = arith.constant 0 : i32
      %dma_wait3A_153 = tpu.memref_slice %arg3[%dma_wait3A_151, %dma_wait3A_152] : memref<62500x16xf32, #tpu.memory_space<hbm>> -> memref<62500x16xf32, #tpu.memory_space<hbm>>
      tpu.wait_indirect_dma semaphore(%arg13 : memref<!tpu.dma_semaphore, #tpu.memory_space<semaphore_mem>>) src(%dma_wait3A_153 : memref<62500x16xf32, #tpu.memory_space<hbm>>) dst(%dma_wait3A_148 : memref<128x16xf32, #tpu.memory_space<vmem>>)
      %dma_wait3A_154 = arith.constant 384 : i32
      %dma_wait3A_155 = arith.constant 0 : i32
      %dma_wait3A_156 = tpu.memref_slice %arg10[%dma_wait3A_154, %dma_wait3A_155] : memref<512x16xf32, #tpu.memory_space<vmem>> -> memref<128x16xf32, #tpu.memory_space<vmem>>
      %dma_wait3A_157 = arith.constant 384 : i32
      %dma_wait3A_158 = tpu.memref_slice %arg8[%dma_wait3A_157] : memref<512xi32, #tpu.memory_space<vmem>> -> memref<128xi32, #tpu.memory_space<vmem>>
      %dma_wait3A_159 = arith.constant 0 : i32
      %dma_wait3A_160 = arith.constant 0 : i32
      %dma_wait3A_161 = tpu.memref_slice %arg3[%dma_wait3A_159, %dma_wait3A_160] : memref<62500x16xf32, #tpu.memory_space<hbm>> -> memref<62500x16xf32, #tpu.memory_space<hbm>>
      tpu.wait_indirect_dma semaphore(%arg13 : memref<!tpu.dma_semaphore, #tpu.memory_space<semaphore_mem>>) src(%dma_wait3A_161 : memref<62500x16xf32, #tpu.memory_space<hbm>>) dst(%dma_wait3A_156 : memref<128x16xf32, #tpu.memory_space<vmem>>)
      %scan3A_162 = arith.constant 0 : i32
      %scan3A_163 = arith.constant 0 : i32
      %scan3A_164 = arith.constant 32 : i32
      %scan3A_165 = arith.addi %scan3A_163, %scan3A_164 : i32
      %scan3A_166 = arith.constant 1 : i32
      scf.for %scan3A_168 = %scan3A_163 to %scan3A_165 step %scan3A_166  : i32 {
        %mul3A_169 = arith.constant 16 : i32
        %mul3A_170 = arith.muli %scan3A_168, %mul3A_169 : i32
        %get3A = arith.index_cast %mul3A_170 : i32 to index
        %get3A_171 = tpu.vector_load %arg7[%get3A] {strides = array<i32>} : memref<512xi32, #tpu.memory_space<vmem>>, vector<16xi32>,
        %and3A = arith.constant 15 : i32
        %and3A_172 = vector.broadcast %and3A : i32 to vector<16xi32>
        %and3A_173 = arith.andi %get3A_171, %and3A_172 : vector<16xi32>
        %mul3A_174 = arith.constant 16 : i32
        %mul3A_175 = arith.muli %scan3A_168, %mul3A_174 : i32
        %add3A_176 = vector.broadcast %mul3A_175 : i32 to vector<16xi32>
        %add3A_177 = arith.addi %add3A_176, %iota3A : vector<16xi32>
        %gather3A = tpu.vector_load_idx %arg10[%add3A_177, %and3A_173] : memref<512x16xf32, #tpu.memory_space<vmem>>[vector<16xi32>, vector<16xi32>], vector<16xf32>,
        %mul3A_178 = arith.constant 16 : i32
        %mul3A_179 = arith.muli %scan3A_168, %mul3A_178 : i32
        %swap3A = arith.index_cast %mul3A_179 : i32 to index
        %swap3A_180 = tpu.vector_load %arg11[%swap3A] {strides = array<i32>} : memref<512xf32, #tpu.memory_space<vmem>>, vector<16xf32>,
        tpu.vector_store %arg11[%swap3A], %gather3A {strides = array<i32>} : memref<512xf32, #tpu.memory_space<vmem>>, vector<16xf32>,
      }
      %scan3A_167 = arith.constant 32 : i32
      "tpu.region"() ({
        %run_scoped3A = tpu.sem_alloc : memref<!tpu.dma_semaphore, #tpu.memory_space<semaphore_mem>>
        %dma_start3A_168 = arith.constant 0 : i32
        %dma_start3A_169 = arith.constant 0 : i32
        %dma_start3A_170 = tpu.memref_slice %arg5[%add3A_11, %dma_start3A_168, %dma_start3A_169] : memref<1664x128x32xf32, #tpu.memory_space<hbm>> -> memref<4x128x32xf32, #tpu.memory_space<hbm>>
        %dma_start3A_171 = arith.constant 0 : i32
        %dma_start3A_172 = arith.constant 0 : i32
        %dma_start3A_173 = tpu.memref_slice %arg5[%add3A_11, %dma_start3A_171, %dma_start3A_172] : memref<1664x128x32xf32, #tpu.memory_space<hbm>> -> memref<4x128x32xf32, #tpu.memory_space<hbm>>
        tpu.enqueue_dma source(%arg9 : memref<4x128x32xf32, #tpu.memory_space<vmem>>) target(%dma_start3A_173 : memref<4x128x32xf32, #tpu.memory_space<hbm>>) target_semaphore(%run_scoped3A : memref<!tpu.dma_semaphore, #tpu.memory_space<semaphore_mem>>)
        %dma_wait3A_174 = arith.constant 0 : i32
        %dma_wait3A_175 = arith.constant 0 : i32
        %dma_wait3A_176 = tpu.memref_slice %arg5[%add3A_11, %dma_wait3A_174, %dma_wait3A_175] : memref<1664x128x32xf32, #tpu.memory_space<hbm>> -> memref<4x128x32xf32, #tpu.memory_space<hbm>>
        %dma_wait3A_177 = arith.constant 0 : i32
        %dma_wait3A_178 = arith.constant 0 : i32
        %dma_wait3A_179 = tpu.memref_slice %arg5[%add3A_11, %dma_wait3A_177, %dma_wait3A_178] : memref<1664x128x32xf32, #tpu.memory_space<hbm>> -> memref<4x128x32xf32, #tpu.memory_space<hbm>>
        tpu.wait_dma2 semaphore(%run_scoped3A : memref<!tpu.dma_semaphore, #tpu.memory_space<semaphore_mem>>) src(%arg9 : memref<4x128x32xf32, #tpu.memory_space<vmem>>) dst(%dma_wait3A_179 : memref<4x128x32xf32, #tpu.memory_space<hbm>>)
        tpu.yield
      }) : () -> ()
      "tpu.region"() ({
        %run_scoped3A = tpu.sem_alloc : memref<!tpu.dma_semaphore, #tpu.memory_space<semaphore_mem>>
        %dma_start3A_168 = tpu.memref_slice %arg6[%mul3A_13] : memref<212992xf32, #tpu.memory_space<hbm>> -> memref<512xf32, #tpu.memory_space<hbm>>
        %dma_start3A_169 = tpu.memref_slice %arg6[%mul3A_13] : memref<212992xf32, #tpu.memory_space<hbm>> -> memref<512xf32, #tpu.memory_space<hbm>>
        tpu.enqueue_dma source(%arg11 : memref<512xf32, #tpu.memory_space<vmem>>) target(%dma_start3A_169 : memref<512xf32, #tpu.memory_space<hbm>>) target_semaphore(%run_scoped3A : memref<!tpu.dma_semaphore, #tpu.memory_space<semaphore_mem>>)
        %dma_wait3A_170 = tpu.memref_slice %arg6[%mul3A_13] : memref<212992xf32, #tpu.memory_space<hbm>> -> memref<512xf32, #tpu.memory_space<hbm>>
        %dma_wait3A_171 = tpu.memref_slice %arg6[%mul3A_13] : memref<212992xf32, #tpu.memory_space<hbm>> -> memref<512xf32, #tpu.memory_space<hbm>>
        tpu.wait_dma2 semaphore(%run_scoped3A : memref<!tpu.dma_semaphore, #tpu.memory_space<semaphore_mem>>) src(%arg11 : memref<512xf32, #tpu.memory_space<vmem>>) dst(%dma_wait3A_171 : memref<512xf32, #tpu.memory_space<hbm>>)
        tpu.yield
      }) : () -> ()
    }
    %scan3A_7 = arith.constant 13 : i32
    return
  }
}

module attributes {stable_mosaic.version = 14 : i64} {
  func.func @_tc_body(%arg0: i32, %arg1: memref<1024x832xf32, #tpu.memory_space<vmem>>, %arg2: memref<1024x32xf32, #tpu.memory_space<vmem>>, %arg3: memref<1024x26xf32, #tpu.memory_space<vmem>>, %arg4: memref<32x608xf32, #tpu.memory_space<vmem>>, %arg5: memref<1x608xf32, #tpu.memory_space<vmem>>, %arg6: memref<832x256xf32, #tpu.memory_space<vmem>>, %arg7: memref<608x256xf32, #tpu.memory_space<vmem>>, %arg8: memref<1x256xf32, #tpu.memory_space<vmem>>, %arg9: memref<256x128xf32, #tpu.memory_space<vmem>>, %arg10: memref<1x128xf32, #tpu.memory_space<vmem>>, %arg11: memref<128x1xf32, #tpu.memory_space<vmem>>, %arg12: memref<832x32xf32, #tpu.memory_space<vmem>>, %arg13: memref<608x32xf32, #tpu.memory_space<vmem>>, %arg14: memref<1x1xf32, #tpu.memory_space<vmem>>, %arg15: memref<1024x1xf32, #tpu.memory_space<vmem>>) attributes {dimension_semantics = [#tpu.dimension_semantics<arbitrary>], iteration_bounds = array<i64: 8>, scalar_prefetch = 0 : i64, scratch_operands = 0 : i64, tpu.core_type = #tpu.core_type<tc>, window_params = [{transform_indices = @transform_0, window_bounds = array<i64: 1024, 832>}, {transform_indices = @transform_1, window_bounds = array<i64: 1024, 32>}, {transform_indices = @transform_2, window_bounds = array<i64: 1024, 26>}, {pipeline_mode = #tpu.pipeline_mode<synchronous>, transform_indices = @transform_3, window_bounds = array<i64: 32, 608>}, {pipeline_mode = #tpu.pipeline_mode<synchronous>, transform_indices = @transform_4, window_bounds = array<i64: 1, 608>}, {pipeline_mode = #tpu.pipeline_mode<synchronous>, transform_indices = @transform_5, window_bounds = array<i64: 832, 256>}, {pipeline_mode = #tpu.pipeline_mode<synchronous>, transform_indices = @transform_6, window_bounds = array<i64: 608, 256>}, {pipeline_mode = #tpu.pipeline_mode<synchronous>, transform_indices = @transform_7, window_bounds = array<i64: 1, 256>}, {pipeline_mode = #tpu.pipeline_mode<synchronous>, transform_indices = @transform_8, window_bounds = array<i64: 256, 128>}, {pipeline_mode = #tpu.pipeline_mode<synchronous>, transform_indices = @transform_9, window_bounds = array<i64: 1, 128>}, {pipeline_mode = #tpu.pipeline_mode<synchronous>, transform_indices = @transform_10, window_bounds = array<i64: 128, 1>}, {pipeline_mode = #tpu.pipeline_mode<synchronous>, transform_indices = @transform_11, window_bounds = array<i64: 832, 32>}, {pipeline_mode = #tpu.pipeline_mode<synchronous>, transform_indices = @transform_12, window_bounds = array<i64: 608, 32>}, {pipeline_mode = #tpu.pipeline_mode<synchronous>, transform_indices = @transform_13, window_bounds = array<i64: 1, 1>}, {transform_indices = @transform_14, window_bounds = array<i64: 1024, 1>}]} {
    %get3A = arith.constant 0 : index
    %get3A_0 = arith.constant 0 : index
    %get3A_1 = vector.load %arg2[%get3A, %get3A_0] : memref<1024x32xf32, #tpu.memory_space<vmem>>, vector<1024x32xf32>
    %get3A_2 = arith.constant 0 : index
    %get3A_3 = arith.constant 0 : index
    %get3A_4 = vector.load %arg4[%get3A_2, %get3A_3] : memref<32x608xf32, #tpu.memory_space<vmem>>, vector<32x608xf32>
    %dot_general3A = arith.constant dense<0.000000e+00> : vector<1024x608xf32>
    %dot_general3A_5 = tpu.matmul %get3A_1, %get3A_4, %dot_general3A {dimension_numbers = #tpu.dot_dimension_numbers<[1], [0], [0], [1], [0, 0, 1, 1], [], []>, transpose_lhs_hint = false} : vector<1024x32xf32>, vector<32x608xf32>, vector<1024x608xf32> -> vector<1024x608xf32>
    %get3A_6 = arith.constant 0 : index
    %get3A_7 = arith.constant 0 : index
    %get3A_8 = vector.load %arg5[%get3A_6, %get3A_7] : memref<1x608xf32, #tpu.memory_space<vmem>>, vector<1x608xf32>
    %add3A = vector.broadcast %get3A_8 : vector<1x608xf32> to vector<1024x608xf32>
    %add3A_9 = arith.addf %dot_general3A_5, %add3A : vector<1024x608xf32>
    %get3A_10 = arith.constant 0 : index
    %get3A_11 = arith.constant 0 : index
    %get3A_12 = vector.load %arg1[%get3A_10, %get3A_11] : memref<1024x832xf32, #tpu.memory_space<vmem>>, vector<1024x832xf32>
    %get3A_13 = arith.constant 0 : index
    %get3A_14 = arith.constant 0 : index
    %get3A_15 = vector.load %arg6[%get3A_13, %get3A_14] : memref<832x256xf32, #tpu.memory_space<vmem>>, vector<832x256xf32>
    %dot_general3A_16 = arith.constant dense<0.000000e+00> : vector<1024x256xf32>
    %dot_general3A_17 = tpu.matmul %get3A_12, %get3A_15, %dot_general3A_16 {dimension_numbers = #tpu.dot_dimension_numbers<[1], [0], [0], [1], [0, 0, 1, 1], [], []>, transpose_lhs_hint = false} : vector<1024x832xf32>, vector<832x256xf32>, vector<1024x256xf32> -> vector<1024x256xf32>
    %get3A_18 = arith.constant 0 : index
    %get3A_19 = arith.constant 0 : index
    %get3A_20 = vector.load %arg7[%get3A_18, %get3A_19] : memref<608x256xf32, #tpu.memory_space<vmem>>, vector<608x256xf32>
    %dot_general3A_21 = arith.constant dense<0.000000e+00> : vector<1024x256xf32>
    %dot_general3A_22 = tpu.matmul %add3A_9, %get3A_20, %dot_general3A_21 {dimension_numbers = #tpu.dot_dimension_numbers<[1], [0], [0], [1], [0, 0, 1, 1], [], []>, transpose_lhs_hint = false} : vector<1024x608xf32>, vector<608x256xf32>, vector<1024x256xf32> -> vector<1024x256xf32>
    %add3A_23 = arith.addf %dot_general3A_17, %dot_general3A_22 : vector<1024x256xf32>
    %get3A_24 = arith.constant 0 : index
    %get3A_25 = arith.constant 0 : index
    %get3A_26 = vector.load %arg8[%get3A_24, %get3A_25] : memref<1x256xf32, #tpu.memory_space<vmem>>, vector<1x256xf32>
    %add3A_27 = vector.broadcast %get3A_26 : vector<1x256xf32> to vector<1024x256xf32>
    %add3A_28 = arith.addf %add3A_23, %add3A_27 : vector<1024x256xf32>
    %max3A = arith.constant 0.000000e+00 : f32
    %max3A_29 = vector.broadcast %max3A : f32 to vector<1024x256xf32>
    %max3A_30 = arith.maximumf %add3A_28, %max3A_29 : vector<1024x256xf32>
    %get3A_31 = arith.constant 0 : index
    %get3A_32 = arith.constant 0 : index
    %get3A_33 = vector.load %arg9[%get3A_31, %get3A_32] : memref<256x128xf32, #tpu.memory_space<vmem>>, vector<256x128xf32>
    %dot_general3A_34 = arith.constant dense<0.000000e+00> : vector<1024x128xf32>
    %dot_general3A_35 = tpu.matmul %max3A_30, %get3A_33, %dot_general3A_34 {dimension_numbers = #tpu.dot_dimension_numbers<[1], [0], [0], [1], [0, 0, 1, 1], [], []>, transpose_lhs_hint = false} : vector<1024x256xf32>, vector<256x128xf32>, vector<1024x128xf32> -> vector<1024x128xf32>
    %get3A_36 = arith.constant 0 : index
    %get3A_37 = arith.constant 0 : index
    %get3A_38 = vector.load %arg10[%get3A_36, %get3A_37] : memref<1x128xf32, #tpu.memory_space<vmem>>, vector<1x128xf32>
    %add3A_39 = vector.broadcast %get3A_38 : vector<1x128xf32> to vector<1024x128xf32>
    %add3A_40 = arith.addf %dot_general3A_35, %add3A_39 : vector<1024x128xf32>
    %max3A_41 = arith.constant 0.000000e+00 : f32
    %max3A_42 = vector.broadcast %max3A_41 : f32 to vector<1024x128xf32>
    %max3A_43 = arith.maximumf %add3A_40, %max3A_42 : vector<1024x128xf32>
    %get3A_44 = arith.constant 0 : index
    %get3A_45 = arith.constant 0 : index
    %get3A_46 = vector.load %arg11[%get3A_44, %get3A_45] : memref<128x1xf32, #tpu.memory_space<vmem>>, vector<128x1xf32>
    %dot_general3A_47 = arith.constant dense<0.000000e+00> : vector<1024x1xf32>
    %dot_general3A_48 = tpu.matmul %max3A_43, %get3A_46, %dot_general3A_47 {dimension_numbers = #tpu.dot_dimension_numbers<[1], [0], [0], [1], [0, 0, 1, 1], [], []>, transpose_lhs_hint = false} : vector<1024x128xf32>, vector<128x1xf32>, vector<1024x1xf32> -> vector<1024x1xf32>
    %get3A_49 = arith.constant 0 : index
    %get3A_50 = arith.constant 0 : index
    %get3A_51 = vector.load %arg3[%get3A_49, %get3A_50] : memref<1024x26xf32, #tpu.memory_space<vmem>>, vector<1024x26xf32>
    %reduce_sum3A = arith.constant dense<0.000000e+00> : vector<1024xf32>
    %reduce_sum3A_52 = vector.multi_reduction <add>, %get3A_51, %reduce_sum3A [1] : vector<1024x26xf32> to vector<1024xf32>
    %broadcast_in_dim3A = vector.shape_cast %reduce_sum3A_52 : vector<1024xf32> to vector<1024x1xf32>
    %reduce_sum3A_53 = arith.constant dense<0.000000e+00> : vector<1024xf32>
    %reduce_sum3A_54 = vector.multi_reduction <add>, %get3A_1, %reduce_sum3A_53 [1] : vector<1024x32xf32> to vector<1024xf32>
    %broadcast_in_dim3A_55 = vector.shape_cast %reduce_sum3A_54 : vector<1024xf32> to vector<1024x1xf32>
    %add3A_56 = arith.addf %broadcast_in_dim3A, %broadcast_in_dim3A_55 : vector<1024x1xf32>
    %get3A_57 = arith.constant 0 : index
    %get3A_58 = arith.constant 0 : index
    %get3A_59 = vector.load %arg12[%get3A_57, %get3A_58] : memref<832x32xf32, #tpu.memory_space<vmem>>, vector<832x32xf32>
    %dot_general3A_60 = arith.constant dense<0.000000e+00> : vector<1024x32xf32>
    %dot_general3A_61 = tpu.matmul %get3A_12, %get3A_59, %dot_general3A_60 {dimension_numbers = #tpu.dot_dimension_numbers<[1], [0], [0], [1], [0, 0, 1, 1], [], []>, transpose_lhs_hint = false} : vector<1024x832xf32>, vector<832x32xf32>, vector<1024x32xf32> -> vector<1024x32xf32>
    %get3A_62 = arith.constant 0 : index
    %get3A_63 = arith.constant 0 : index
    %get3A_64 = vector.load %arg13[%get3A_62, %get3A_63] : memref<608x32xf32, #tpu.memory_space<vmem>>, vector<608x32xf32>
    %dot_general3A_65 = arith.constant dense<0.000000e+00> : vector<1024x32xf32>
    %dot_general3A_66 = tpu.matmul %add3A_9, %get3A_64, %dot_general3A_65 {dimension_numbers = #tpu.dot_dimension_numbers<[1], [0], [0], [1], [0, 0, 1, 1], [], []>, transpose_lhs_hint = false} : vector<1024x608xf32>, vector<608x32xf32>, vector<1024x32xf32> -> vector<1024x32xf32>
    %add3A_67 = arith.addf %dot_general3A_61, %dot_general3A_66 : vector<1024x32xf32>
    %mul3A = arith.mulf %get3A_12, %get3A_12 : vector<1024x832xf32>
    %get3A_68 = arith.constant 0 : index
    %get3A_69 = arith.constant 0 : index
    %get3A_70 = vector.load %arg12[%get3A_68, %get3A_69] : memref<832x32xf32, #tpu.memory_space<vmem>>, vector<832x32xf32>
    %dot_general3A_71 = arith.constant dense<0.000000e+00> : vector<1024x32xf32>
    %dot_general3A_72 = tpu.matmul %mul3A, %get3A_70, %dot_general3A_71 {dimension_numbers = #tpu.dot_dimension_numbers<[1], [0], [0], [1], [0, 0, 1, 1], [], []>, transpose_lhs_hint = false} : vector<1024x832xf32>, vector<832x32xf32>, vector<1024x32xf32> -> vector<1024x32xf32>
    %mul3A_73 = arith.mulf %add3A_9, %add3A_9 : vector<1024x608xf32>
    %get3A_74 = arith.constant 0 : index
    %get3A_75 = arith.constant 0 : index
    %get3A_76 = vector.load %arg13[%get3A_74, %get3A_75] : memref<608x32xf32, #tpu.memory_space<vmem>>, vector<608x32xf32>
    %dot_general3A_77 = arith.constant dense<0.000000e+00> : vector<1024x32xf32>
    %dot_general3A_78 = tpu.matmul %mul3A_73, %get3A_76, %dot_general3A_77 {dimension_numbers = #tpu.dot_dimension_numbers<[1], [0], [0], [1], [0, 0, 1, 1], [], []>, transpose_lhs_hint = false} : vector<1024x608xf32>, vector<608x32xf32>, vector<1024x32xf32> -> vector<1024x32xf32>
    %add3A_79 = arith.addf %dot_general3A_72, %dot_general3A_78 : vector<1024x32xf32>
    %mul3A_80 = arith.mulf %add3A_67, %add3A_67 : vector<1024x32xf32>
    %sub3A = arith.subf %mul3A_80, %add3A_79 : vector<1024x32xf32>
    %reduce_sum3A_81 = arith.constant dense<0.000000e+00> : vector<1024xf32>
    %reduce_sum3A_82 = vector.multi_reduction <add>, %sub3A, %reduce_sum3A_81 [1] : vector<1024x32xf32> to vector<1024xf32>
    %broadcast_in_dim3A_83 = vector.shape_cast %reduce_sum3A_82 : vector<1024xf32> to vector<1024x1xf32>
    %mul3A_84 = arith.constant 5.000000e-01 : f32
    %mul3A_85 = vector.broadcast %mul3A_84 : f32 to vector<1024x1xf32>
    %mul3A_86 = arith.mulf %mul3A_85, %broadcast_in_dim3A_83 : vector<1024x1xf32>
    %add3A_87 = arith.addf %add3A_56, %mul3A_86 : vector<1024x1xf32>
    %add3A_88 = arith.addf %add3A_87, %dot_general3A_48 : vector<1024x1xf32>
    %get3A_89 = arith.constant 0 : index
    %get3A_90 = arith.constant 0 : index
    %get3A_91 = vector.load %arg14[%get3A_89, %get3A_90] : memref<1x1xf32, #tpu.memory_space<vmem>>, vector<1x1xf32>
    %add3A_92 = vector.broadcast %get3A_91 : vector<1x1xf32> to vector<1024x1xf32>
    %add3A_93 = arith.addf %add3A_88, %add3A_92 : vector<1024x1xf32>
    %swap3A = arith.constant 0 : index
    %swap3A_94 = arith.constant 0 : index
    %swap3A_95 = vector.load %arg15[%swap3A, %swap3A_94] : memref<1024x1xf32, #tpu.memory_space<vmem>>, vector<1024x1xf32>
    tpu.vector_store %arg15[%swap3A, %swap3A_94], %add3A_93 {strides = array<i32>} : memref<1024x1xf32, #tpu.memory_space<vmem>>, vector<1024x1xf32>,
    return
  }
  func.func @transform_0(%arg0: i32) -> (i32, i32) {
    %c0_i32 = arith.constant 0 : i32
    %c0_i32_0 = arith.constant 0 : i32
    return %arg0, %c0_i32 : i32, i32
  }
  func.func @transform_1(%arg0: i32) -> (i32, i32) {
    %c0_i32 = arith.constant 0 : i32
    %c0_i32_0 = arith.constant 0 : i32
    return %arg0, %c0_i32 : i32, i32
  }
  func.func @transform_2(%arg0: i32) -> (i32, i32) {
    %c0_i32 = arith.constant 0 : i32
    %c0_i32_0 = arith.constant 0 : i32
    return %arg0, %c0_i32 : i32, i32
  }
  func.func @transform_3(%arg0: i32) -> (i32, i32) {
    %c0_i32 = arith.constant 0 : i32
    %c0_i32_0 = arith.constant 0 : i32
    %c0_i32_1 = arith.constant 0 : i32
    return %c0_i32, %c0_i32_0 : i32, i32
  }
  func.func @transform_4(%arg0: i32) -> (i32, i32) {
    %c0_i32 = arith.constant 0 : i32
    %c0_i32_0 = arith.constant 0 : i32
    %c0_i32_1 = arith.constant 0 : i32
    return %c0_i32, %c0_i32_0 : i32, i32
  }
  func.func @transform_5(%arg0: i32) -> (i32, i32) {
    %c0_i32 = arith.constant 0 : i32
    %c0_i32_0 = arith.constant 0 : i32
    %c0_i32_1 = arith.constant 0 : i32
    return %c0_i32, %c0_i32_0 : i32, i32
  }
  func.func @transform_6(%arg0: i32) -> (i32, i32) {
    %c0_i32 = arith.constant 0 : i32
    %c0_i32_0 = arith.constant 0 : i32
    %c0_i32_1 = arith.constant 0 : i32
    return %c0_i32, %c0_i32_0 : i32, i32
  }
  func.func @transform_7(%arg0: i32) -> (i32, i32) {
    %c0_i32 = arith.constant 0 : i32
    %c0_i32_0 = arith.constant 0 : i32
    %c0_i32_1 = arith.constant 0 : i32
    return %c0_i32, %c0_i32_0 : i32, i32
  }
  func.func @transform_8(%arg0: i32) -> (i32, i32) {
    %c0_i32 = arith.constant 0 : i32
    %c0_i32_0 = arith.constant 0 : i32
    %c0_i32_1 = arith.constant 0 : i32
    return %c0_i32, %c0_i32_0 : i32, i32
  }
  func.func @transform_9(%arg0: i32) -> (i32, i32) {
    %c0_i32 = arith.constant 0 : i32
    %c0_i32_0 = arith.constant 0 : i32
    %c0_i32_1 = arith.constant 0 : i32
    return %c0_i32, %c0_i32_0 : i32, i32
  }
  func.func @transform_10(%arg0: i32) -> (i32, i32) {
    %c0_i32 = arith.constant 0 : i32
    %c0_i32_0 = arith.constant 0 : i32
    %c0_i32_1 = arith.constant 0 : i32
    return %c0_i32, %c0_i32_0 : i32, i32
  }
  func.func @transform_11(%arg0: i32) -> (i32, i32) {
    %c0_i32 = arith.constant 0 : i32
    %c0_i32_0 = arith.constant 0 : i32
    %c0_i32_1 = arith.constant 0 : i32
    return %c0_i32, %c0_i32_0 : i32, i32
  }
  func.func @transform_12(%arg0: i32) -> (i32, i32) {
    %c0_i32 = arith.constant 0 : i32
    %c0_i32_0 = arith.constant 0 : i32
    %c0_i32_1 = arith.constant 0 : i32
    return %c0_i32, %c0_i32_0 : i32, i32
  }
  func.func @transform_13(%arg0: i32) -> (i32, i32) {
    %c0_i32 = arith.constant 0 : i32
    %c0_i32_0 = arith.constant 0 : i32
    %c0_i32_1 = arith.constant 0 : i32
    return %c0_i32, %c0_i32_0 : i32, i32
  }
  func.func @transform_14(%arg0: i32) -> (i32, i32) {
    %c0_i32 = arith.constant 0 : i32
    %c0_i32_0 = arith.constant 0 : i32
    return %arg0, %c0_i32 : i32, i32
  }
}

</mosaic_0001>

<sc_bundles>
// kernel: kernel.6.cloned.1.call-start
scs
__scs_entry_jumppad:
0x0: {  	(pc) =	sbr.rel $0x88, $3  }
0x1: {  	(tag) =	ssettag $0x0;
	lr =	simm.s32 $0x1  }
0x2: {  	[smem:$0x3F94] =	sst lr;
	_ =	strace $0xD0000000  }
0x3: {  	_ = 	snop  }
0x4: {  	_ = 	snop  }
0x5: {  	_ = 	snop  }
0x6: {  	_ = 	snop  }
0x7: {  	_ = 	snop  }
__scs_overlays_trampoline_lowered:
0x8: {  	[smem:$0x3FA3] =	sst s0  }
0x9: {  	[smem:$0x3FA4] =	sst s1  }
0xa: {  	[smem:$0x3FA5] =	sst s2  }
0xb: {  	[smem:$0x3FA6] =	sst s3  }
0xc: {  	[smem:$0x3FA7] =	sst s4  }
0xd: {  	[smem:$0x3FA8] =	sst s5  }
0xe: {  	[smem:$0x3FA9] =	sst s6  }
0xf: {  	[smem:$0x3FAA] =	sst s7  }
0x10: {  	[smem:$0x3FAB] =	sst s8  }
0x11: {  	[smem:$0x3FAC] =	sst s9;
	s0 =	simm.s32 @!p0 $0x0  }
0x12: {  	s1 =	sld [smem:$0x3F92];
	s0 =	simm.s32 @p0 $0x1  }
0x13: {  	[smem:$0x3FAD] =	sst s0;
	s0 =	simm.s32 @!p1 $0x0  }
0x14: {  	s2 =	sld [smem:$0x3F91];
	s0 =	simm.s32 @p1 $0x1  }
0x15: {  	[smem:$0x3FAE] =	sst s0;
	s0 =	simm.s32 @!p2 $0x0  }
0x16: {  	s3 =	sld [smem:$0x3FDB];
	s0 =	simm.s32 @p2 $0x1  }
0x17: {  	s4 =	simm.s32 $0x1BF5;
	[smem:$0x3FB0] =	sst s0  }
0x18: {  	s0 =	sld [smem:$0x3F93];
	_ =	swait.ge [sflag:s4], $0x0  }
0x19: {  	s7 =	sld [smem:$0x3F94]  }
0x1a: {  	s8 =	sadd.s32 $0xFFFFE003, lr  }
0x1b: {  	s9 =	sadd.s32 $0xFFFFFEF7, lr;
	s5 =	simm.s32 $0xFFFFFFFF;
	p2 =	slt.u32 s8, $0xFFFFF086  }
0x1c: {  	p1 =	slt.u32 s9, $0xF7A;
	s5 =	simm.s32 @!p2 $0x0  }
0x1d: {  	s5 =	simm.s32 @p1 $0x1;
	p0 =	seq.s32 s7, s2  }
0x1e: {  	s7 =	smul.u32 @!p0 $0xF7A, s2;
	p2 =	seq.s32 @!p0 s5, $0x0  }
0x1f: {  	s9 =	smul.u32 $0xF7A, s1;
	s8 =	simm.s32 @!p0 $0x1BF5;
	p2 =	por !p2, p0  }
0x20: {  	[sflag:s8] =	ssyncset.s32 @!p0 $0xFFFFF086;
	s6 =	sadd.s32 @!p0 s3, s7;
	s7 =	simm.s32 @!p0 $0x108  }
0x21: {  	s3 =	sadd.s32 s3, s9;
	s6 =	sadd.s32 @!p0 $0x88, s6;
	s7 =	simm.s32 @p2 $0x1082  }
0x22: {  	[simem:s7], [sflag:s8] =	dma.local @!p0 [hbm:s6], $0xF7A  }
0x23: {  	s9 =	sor.u32 $0xD0000000, s2;
	s6 =	simm.s32 $0x108;
	_ =	swait.ge @!p0 [sflag:s8], $0x0  }
0x24: {  	s3 =	sadd.s32 $0x88, s3;
	s6 =	simm.s32 @!p1 $0x1082;
	[sflag:s4] =	ssyncset.s32 $0xFFFFF086  }
0x25: {  	[simem:s6], [sflag:s4] =	dma.local [hbm:s3], $0xF7A  }
0x26: {  	[smem:$0x3F94] =	sst s1;
	(tag) =	ssettag s2;
	_ =	strace s9  }
0x27: {  	s1 =	sld [smem:$0x3FA4]  }
0x28: {  	s2 =	sld [smem:$0x3FA5]  }
0x29: {  	s4 =	sld [smem:$0x3FA7]  }
0x2a: {  	p0 =	seq.s32 s5, $0x0;
	s5 =	sld [smem:$0x3FA8]  }
0x2b: {  	s6 =	sld [smem:$0x3FA9]  }
0x2c: {  	s7 =	sld [smem:$0x3FAA]  }
0x2d: {  	s3 =	simm.s32 $0x108;
	s8 =	sld [smem:$0x3FAB]  }
0x2e: {  	s3 =	simm.s32 @!p0 $0x1082;
	s9 =	sld [smem:$0x3FAC]  }
0x2f: {  	lr =	sadd.s32 s0, s3;
	s0 =	sld [smem:$0x3FA3]  }
0x30: {  	s3 =	sld [smem:$0x3FA6]  }
0x31: {  	[smem:$0x3FAF] =	sst s10  }
0x32: {  	s10 =	sld [smem:$0x3FAD];
	_ =	sdelay $0x3  }
0x33: {  	p0 =	seq.s32 s10, $0x1;
	s10 =	sld [smem:$0x3FAF];
	_ =	sdelay $0x3  }
0x34: {  	[smem:$0x3FAF] =	sst s10  }
0x35: {  	s10 =	sld [smem:$0x3FAE];
	_ =	sdelay $0x3  }
0x36: {  	p1 =	seq.s32 s10, $0x1;
	s10 =	sld [smem:$0x3FAF];
	_ =	sdelay $0x3  }
0x37: {  	[smem:$0x3FAF] =	sst s10  }
0x38: {  	s10 =	sld [smem:$0x3FB0]  }
0x39: {  	_ = 	snop;
	(pc) =	sbr.ind lr, $3  }
0x3a: {  	_ = 	snop  }
0x3b: {  	_ = 	snop  }
0x3c: {  	p2 =	seq.s32 s10, $0x1;
	s10 =	sld [smem:$0x3FAF]  }
0x3d: {  	_ =	shalt  }
0x3e: {  	_ =	shalt  }
0x3f: {  	_ =	shalt  }
0x40: {  	_ =	shalt  }
0x41: {  	_ =	shalt  }
0x42: {  	_ =	shalt  }
0x43: {  	_ =	shalt  }
0x44: {  	_ =	shalt  }
0x45: {  	_ =	shalt  }
0x46: {  	_ =	shalt  }
0x47: {  	_ =	shalt  }
0x48: {  	_ =	shalt  }
0x49: {  	_ =	shalt  }
0x4a: {  	_ =	shalt  }
0x4b: {  	_ =	shalt  }
0x4c: {  	_ =	shalt  }
0x4d: {  	_ =	shalt  }
0x4e: {  	_ =	shalt  }
0x4f: {  	_ =	shalt  }
0x50: {  	_ =	shalt  }
0x51: {  	_ =	shalt  }
0x52: {  	_ =	shalt  }
0x53: {  	_ =	shalt  }
0x54: {  	_ =	shalt  }
0x55: {  	_ =	shalt  }
0x56: {  	_ =	shalt  }
0x57: {  	_ =	shalt  }
0x58: {  	_ =	shalt  }
0x59: {  	_ =	shalt  }
0x5a: {  	_ =	shalt  }
0x5b: {  	_ =	shalt  }
0x5c: {  	_ =	shalt  }
0x5d: {  	_ =	shalt  }
0x5e: {  	_ =	shalt  }
0x5f: {  	_ =	shalt  }
0x60: {  	_ =	shalt  }
0x61: {  	_ =	shalt  }
0x62: {  	_ =	shalt  }
0x63: {  	_ =	shalt  }
0x64: {  	_ =	shalt  }
0x65: {  	_ =	shalt  }
0x66: {  	_ =	shalt  }
0x67: {  	_ =	shalt  }
0x68: {  	_ =	shalt  }
0x69: {  	_ =	shalt  }
0x6a: {  	_ =	shalt  }
0x6b: {  	_ =	shalt  }
0x6c: {  	_ =	shalt  }
0x6d: {  	_ =	shalt  }
0x6e: {  	_ =	shalt  }
0x6f: {  	_ =	shalt  }
0x70: {  	_ =	shalt  }
0x71: {  	_ =	shalt  }
0x72: {  	_ =	shalt  }
0x73: {  	_ =	shalt  }
0x74: {  	_ =	shalt  }
0x75: {  	_ =	shalt  }
0x76: {  	_ =	shalt  }
0x77: {  	_ =	shalt  }
0x78: {  	_ =	shalt  }
0x79: {  	_ =	shalt  }
0x7a: {  	_ =	shalt  }
0x7b: {  	_ =	shalt  }
0x7c: {  	_ =	shalt  }
0x7d: {  	_ =	shalt  }
0x7e: {  	_ =	shalt  }
0x7f: {  	_ =	shalt  }
0x80: {  	_ =	shalt  }
0x81: {  	_ =	shalt  }
0x82: {  	_ =	shalt  }
0x83: {  	_ =	shalt  }
0x84: {  	_ =	shalt  }
0x85: {  	_ =	shalt  }
0x86: {  	_ =	shalt  }
0x87: {  	_ =	shalt  }
.Lfunc_end0:
.L_simem_size_0:
called_computation_lowered:
.L_overlay_start_0:
0x88: {  	s2 =	sld [smem:$0x3FD9]  }
0x89: {  	s3 =	sld [smem:$0x3FFE];
	_ =	sdelay $0x1  }
0x8a: {  	s1 =	srdreg.scid  }
0x8b: {  	s0 =	sand.u32 $0x1, s1  }
0x8c: {  	s16 =	sshll.u32 s0, $0xA;
	s2 =	sadd.s32 s3, s2  }
0x8d: {  	s2 =	sadd.s32 s2, s16  }
0x8e: {  	[smem:$0x3FBB] =	sst s2  }
0x8f: {  	_ = 	snop  }
0x90: {  	(tm) =	ssettm $0x1  }
0x91: {  	s17 =	sld [smem:$0x3FFB];
	_ =	sdelay $0x3  }
0x92: {  	_ =	strace s17  }
0x93: {  	s2 =	sld [smem:$0x3FFC];
	_ =	sdelay $0x3  }
0x94: {  	_ =	strace s2  }
0x95: {  	s2 =	sld [smem:$0x3FFD];
	_ =	sdelay $0x3  }
0x96: {  	_ =	strace s2  }
0x97: {  	_ =	strace $0x8FFFFFFF  }
0x98: {  	s18 =	sld [smem:$0x3FDB];
	_ =	sdelay $0x1  }
0x99: {  	s19 =	simm.s32 $_scs_section_size  }
0x9a: {  	s4 =	simm.s32 $_size__tile_overlayer_lowered;
	s5 =	simm.s32 $_tile_overlayer_lowered  }
0x9b: {  	s22 =	simm.s32 $0x1BFF;
	s21 =	sshll.u32 s5, $0x1;
	s2 =	sadd.s32 s19, s18  }
0x9c: {  	s6 =	simm.s32 $0x0;
	s20 =	sshll.u32 s4, $0x1;
	s4 =	sadd.s32 s21, s2  }
0x9d: {  	[timem:s6], [sflag:s22] =	dma.local [hbm:s4], s20  }
0x9e: {  	_ =	swait.ge [sflag:s22], s20  }
0x9f: {  	s3 =	ssub.s32 $0x0, s20;
	[sflag:s22] =	ssyncset.done $0x0  }
0xa0: {  	[sflag:s22] =	ssyncadd.s32 s3;
	_ =	sdelay $0x1  }
0xa1: {  	s23 =	simm.s32 $0x1B8B  }
0xa2: {  	_ =	swait.ge [sflag:s23], $0x1  }
0xa3: {  	[sflag:s23] =	ssyncset.done $0x0  }
0xa4: {  	s25 =	simm.s32 $0x1B8E;
	s24 =	sld [smem:$0x3FFE];
	[sflag:s23] =	ssyncadd.s32 $0xFFFFFFFF  }
0xa5: {  	s26 =	simm.s32 $execute0_lowered;
	[smem:$0x3FD2] =	sst s25  }
0xa6: {  	s4 =	sshll.u32 s26, $0x1;
	_ =	strace $0x80000046;
	[dreg:$0x1] =	wrdreg $0xFFFFFFFF  }
0xa7: {  	s28 =	simm.s32 $_size_execute0_lowered;
	s2 =	sadd.s32 s2, s4;
	[dreg:$0x0] =	wrdreg $0x0  }
0xa8: {  	s4 =	sshll.u32 s28, $0x1;
	[dreg:$0x2] =	wrdreg s2  }
0xa9: {  	[dreg:$0x3] =	wrdreg s4  }
0xaa: {  	[dreg:$0x4] =	wrdreg $0xC0  }
0xab: {  	_ =	task [dreg:s6], $0x5FFFF  }
0xac: {  	[dreg:$0x1] =	wrdreg $0xFFFFFFFF  }
0xad: {  	[dreg:$0x0] =	wrdreg $0x60  }
0xae: {  	[dreg:$0x2] =	wrdreg s24  }
0xaf: {  	[dreg:$0x3] =	wrdreg $0x9  }
0xb0: {  	_ =	task.clear_ibuf [dreg:s6], $0x4FFFF;
	_ =	strace $0x90000046  }
0xb1: {  	s29 =	simm.s32 $0x9;
	_ =	strace $0x80000048  }
0xb2: {  	_ =	swait.ge [sflag:s29], $0x1  }
0xb3: {  	[sflag:s29] =	ssyncadd.s32 $0xFFFFFFFF  }
0xb4: {  	_ =	strace $0x90000048  }
0xb5: {  	_ =	sfence  }
0xb6: {  	s30 =	sld [smem:$0x0];
	_ =	sdelay $0x2  }
0xb7: {  	s31 =	sshll.u32 s1, $0xD;
	s1 =	sshrl.u32 s1, $0x2  }
0xb8: {  	s3 =	sand.u32 $0x4000, s31;
	s1 =	sadd.s32 s1, s30  }
0xb9: {  	s0 =	sor.u32 s3, s0;
	s1 =	sshll.u32 s1, $0x11  }
0xba: {  	s0 =	sor.u32 s1, s0  }
0xbb: {  	s0 =	sadd.s32 $0x8F2B, s0  }
0xbc: {  	[sflag:s0] =	ssyncadd.remote.s32 $0x1  }
0xbd: {  	_ =	sfence.sel $0xFFFF  }
0xbe: {  	[dreg:$0x0] =	wrdreg $0xFFFFFFFF;
	(pc) =	sbr.abs _section_cstart, $3  }
0xbf: {  	[dreg:$0x1] =	wrdreg $0xFFFFFFFF  }
0xc0: {  	_ =	task.clear_ibuf [dreg:s6], $0x2FFFF;
	_ =	strace $0x9FFFFFFF  }
0xc1: {  	(tm) =	ssettm $0x7FFFFFFF  }
tec
execute0_lowered:
.L_overlay_start_1:
0x0: {  	(tag) =	ssettag $0x1  }
0x1: {  	s0 =	rddreg [dreg:$0x0];
	s1 =	simm.s32 $0x0  }
0x2: {  	s2 =	srdreg.scid;
	s6 =	stileid.u32;
	s10 =	simm.s32 $0x3  }
0x3: {  	s11 =	simm.s32 $0x80;
	s12 =	simm.s32 $0x400;
	s15 =	simm.s32 $0x2400  }
0x4: {  	s16 =	simm.s32 $0x180;
	s17 =	simm.s32 $0x3400;
	s18 =	simm.s32 $0x200  }
0x5: {  	s19 =	simm.s32 $0x4400;
	s20 =	simm.s32 $0x280;
	s21 =	simm.s32 $0x4C00  }
0x6: {  	s22 =	simm.s32 $0x300;
	s23 =	simm.s32 $0x5400;
	s24 =	simm.s32 $0x380  }
0x7: {  	s25 =	simm.s32 $0x5C00;
	s26 =	simm.s32 $0x1;
	s28 =	simm.s32 $0x2  }
0x8: {  	s29 =	simm.s32 $0x6400;
	[smem:$0x7FF] =	sst s1;
	s2 =	sand.u32 $0x1, s2  }
0x9: {  	s3 =	sadd.s32 $0xF44200, s0;
	s4 =	sadd.s32 $0x8600, s0;
	s8 =	ssub.s32 $0x2, s2  }
0xa: {  	s5 =	sadd.s32 $0x1E00, s0;
	s7 =	sshll.u32 s6, $0x1;
	s9 =	sshrl.u32 s8, $0x1  }
0xb: {  	s6 =	sadd.s32 $0x27000, s0;
	_ =	strace $0x80000047;
	s31 =	ssub.s32 s8, s9  }
0xc: {  	v0 =	vlaneseq.u32;
	s2 =	sor.u32 s2, s7;
	s7 =	sadd.s32 $0xF7000, s0;
	s0 =	smax.u32 s31, $0x1  }
0xd: {  	v0 =	vmul.u32 $0x10, v0;
	s8 =	smul.u32 $0x34, s2;
	s2 =	simm.s32 $0x0;
	[dreg:$0x2] =	wrdreg s0  }
.LBB2_1:
0xe: {  	[dreg:$0x3] =	wrdreg s2;
	s31 =	simm.s32 $0x0  }
.LBB2_2:
0xf: {  	s0 =	sshll.u32 s31, $0x2  }
0x10: {  	s2 =	sadd.s32 s8, s0  }
0x11: {  	s0 =	sshll.u32 s2, $0x4  }
0x12: {  	s13 =	simm.s32 $0x0;
	s9 =	sadd.s32 s5, s0  }
0x13: {  	[tilespmem:s13], [sflag:$0x3] =	stream.linear.gather [hbm4b:s9+s13], $0x200, $0x38;
	[tilespmem:$0x6600] =	vst v63  }
0x14: {  	_ =	swait.ge [sflag:s10], $0x200  }
0x15: {  	[sflag:s10] =	ssyncset.done $0x0  }
0x16: {  	[sflag:s10] =	ssyncadd.s32 $0xFFFFFE00  }
0x17: {  	[tilespmem:s12], [sflag:$0x1] =	stream.indirect.gather [hbm4b:s3+s11], $0x20, s13, s11, $0xb8;
	[tilespmem:$0x6600] =	vst v63  }
0x18: {  	s14 =	simm.s32 $0x1400  }
0x19: {  	[tilespmem:s14], [sflag:$0x1] =	stream.indirect.gather [hbm4b:s3+s11], $0x20, s11, s11, $0xb8;
	[tilespmem:$0x6600] =	vst v63  }
0x1a: {  	s30 =	simm.s32 $0x100  }
0x1b: {  	[tilespmem:s15], [sflag:$0x1] =	stream.indirect.gather [hbm4b:s3+s11], $0x20, s30, s11, $0xb8;
	[tilespmem:$0x6600] =	vst v63  }
0x1c: {  	s9 =	simm.s32 $0x0  }
0x1d: {  	[tilespmem:s17], [sflag:$0x1] =	stream.indirect.gather [hbm4b:s3+s11], $0x20, s16, s11, $0xb8;
	[tilespmem:$0x6600] =	vst v63  }
0x1e: {  	s13 =	simm.s32 $0x40;
	v1 =	vld [tilespmem:s9+$0x0]  }
.LBB2_3:
0x1f: {  	p0 =	sne.s32 s13, $0x7C0  }
.Ltmp0:
0x20: {  	_ = 	snop;
	(pc) =	sbr.rel @p0 .LBB2_3-.Ltmp0, $3  }
0x21: {  	_ =	sdelay $0x1  }
0x22: {  	s14 =	sshra.s32 s13, $0x2;
	s13 =	sadd.s32 $0x40, s13;
	v2 =	vshra.s32 v1, $0x4  }
0x23: {  	v1 =	vld [tilespmem:s14+$0x0];
	[tilespmem:s9+$0x200] =	vst v2;
	s9 =	smov.u32 s14  }
0x24: {  	_ =	sdelay $0x3  }
0x25: {  	v1 =	vshra.s32 v1, $0x4  }
0x26: {  	[tilespmem:s9+$0x200] =	vst v1  }
0x27: {  	[tilespmem:s19], [sflag:$0x2] =	stream.indirect.gather [hbm4b:s4+s11], $0x10, s18, s11, $0xb8;
	[tilespmem:$0x6600] =	vst v63  }
0x28: {  	_ = 	snop  }
0x29: {  	[tilespmem:s21], [sflag:$0x2] =	stream.indirect.gather [hbm4b:s4+s11], $0x10, s20, s11, $0xb8;
	[tilespmem:$0x6600] =	vst v63  }
0x2a: {  	_ = 	snop  }
0x2b: {  	[tilespmem:s23], [sflag:$0x2] =	stream.indirect.gather [hbm4b:s4+s11], $0x10, s22, s11, $0xb8;
	[tilespmem:$0x6600] =	vst v63  }
0x2c: {  	_ = 	snop  }
0x2d: {  	[tilespmem:s25], [sflag:$0x2] =	stream.indirect.gather [hbm4b:s4+s11], $0x10, s24, s11, $0xb8;
	[tilespmem:$0x6600] =	vst v63  }
0x2e: {  	_ =	swait.ge [sflag:s26], $0x1000  }
0x2f: {  	[sflag:s26] =	ssyncset.done $0x0  }
0x30: {  	[sflag:s26] =	ssyncadd.s32 $0xFFFFF000  }
0x31: {  	_ =	swait.ge [sflag:s26], $0x1000  }
0x32: {  	[sflag:s26] =	ssyncset.done $0x0  }
0x33: {  	[sflag:s26] =	ssyncadd.s32 $0xFFFFF000  }
0x34: {  	_ =	swait.ge [sflag:s26], $0x1000  }
0x35: {  	[sflag:s26] =	ssyncset.done $0x0  }
0x36: {  	[sflag:s26] =	ssyncadd.s32 $0xFFFFF000  }
0x37: {  	_ =	swait.ge [sflag:s26], $0x1000  }
0x38: {  	[sflag:s26] =	ssyncset.done $0x0  }
0x39: {  	[sflag:s26] =	ssyncadd.s32 $0xFFFFF000  }
0x3a: {  	_ =	swait.ge [sflag:s28], $0x800  }
0x3b: {  	[sflag:s28] =	ssyncset.done $0x0  }
0x3c: {  	[sflag:s28] =	ssyncadd.s32 $0xFFFFF800  }
0x3d: {  	_ =	swait.ge [sflag:s28], $0x800  }
0x3e: {  	[sflag:s28] =	ssyncset.done $0x0  }
0x3f: {  	[sflag:s28] =	ssyncadd.s32 $0xFFFFF800  }
0x40: {  	_ =	swait.ge [sflag:s28], $0x800  }
0x41: {  	[sflag:s28] =	ssyncset.done $0x0  }
0x42: {  	[sflag:s28] =	ssyncadd.s32 $0xFFFFF800  }
0x43: {  	_ =	swait.ge [sflag:s28], $0x800  }
0x44: {  	[sflag:s28] =	ssyncset.done $0x0  }
0x45: {  	s14 =	simm.s32 $0x0;
	[sflag:s28] =	ssyncadd.s32 $0xFFFFF800  }
0x46: {  	v1 =	vld [tilespmem:s14+$0x0];
	_ =	sdelay $0x2  }
0x47: {  	v2 =	vmov s14  }
0x48: {  	v2 =	vshll.u32 v2, $0x4  }
0x49: {  	v2 =	vor.u32 v0, v2;
	v1 =	vand.u32 $0xF, v1  }
0x4a: {  	v1 =	vor.u32 v2, v1;
	_ =	sdelay $0x4  }
0x4b: {  	v1 =	vld.idx.msk [tilespmem:v1+s19+$0x0], $0xffff;
	_ =	sdelay $0x3  }
0x4c: {  	s9 =	simm.s32 $0x6400  }
0x4d: {  	s30 =	simm.s32 $0x10;
	[tilespmem:s9+$0x0] =	vst v1  }
0x4e: {  	s13 =	simm.s32 $0x20;
	s14 =	simm.s32 $0x10;
	v1 =	vld [tilespmem:s30+$0x0]  }
.LBB2_5:
0x4f: {  	p0 =	sne.s32 s13, $0x1F0;
	_ =	sdelay $0x1  }
0x50: {  	v2 =	vmov s30;
	s30 =	smov.u32 s13  }
0x51: {  	v2 =	vshll.u32 v2, $0x4  }
0x52: {  	v2 =	vor.u32 v0, v2;
	v1 =	vand.u32 $0xF, v1  }
0x53: {  	v1 =	vor.u32 v2, v1;
	_ =	sdelay $0x4  }
0x54: {  	v1 =	vld.idx.msk [tilespmem:v1+s19+$0x0], $0xffff;
	_ =	sdelay $0x2  }
.Ltmp1:
0x55: {  	(pc) =	sbr.rel @p0 .LBB2_5-.Ltmp1, $4  }
0x56: {  	_ = 	snop  }
0x57: {  	s9 =	sadd.s32 $0x10, s9  }
0x58: {  	s14 =	sadd.s32 $0x10, s14;
	[tilespmem:s9+$0x0] =	vst v1  }
0x59: {  	s13 =	sadd.s32 $0x10, s13;
	v1 =	vld [tilespmem:s14+$0x0]  }
0x5a: {  	_ =	sdelay $0x1  }
0x5b: {  	v2 =	vmov s30  }
0x5c: {  	v2 =	vshll.u32 v2, $0x4  }
0x5d: {  	v2 =	vor.u32 v0, v2;
	v1 =	vand.u32 $0xF, v1  }
0x5e: {  	v1 =	vor.u32 v2, v1;
	_ =	sdelay $0x4  }
0x5f: {  	v1 =	vld.idx.msk [tilespmem:v1+s19+$0x0], $0xffff;
	_ =	sdelay $0x3  }
0x60: {  	s9 =	sadd.s32 $0x10, s9;
	s2 =	sshll.u32 s2, $0x9  }
0x61: {  	s2 =	sadd.s32 s6, s2;
	[tilespmem:s9+$0x0] =	vst v1  }
0x62: {  	[hbm4b:s2+s1] =	stream.linear.scatter [tilespmem:s12], [sflag:$0x3], $0x4000, $0x38;
	[tilespmem:$0x6600] =	vst v63  }
0x63: {  	s31 =	sadd.s32 $0x1, s31;
	_ =	swait.ge [sflag:s10], $0x4000  }
0x64: {  	p0 =	sne.s32 s31, $0xD;
	[sflag:s10] =	ssyncset.done $0x0  }
.Ltmp2:
0x65: {  	s0 =	sadd.s32 s7, s0;
	[sflag:s10] =	ssyncadd.s32 $0xFFFFC000;
	(pc) =	sbr.rel @p0 .LBB2_2-.Ltmp2, $4  }
0x66: {  	[hbm4b:s0+s1] =	stream.linear.scatter [tilespmem:s29], [sflag:$0x3], $0x200, $0x38;
	[tilespmem:$0x6600] =	vst v63  }
0x67: {  	_ =	swait.ge [sflag:s10], $0x200  }
0x68: {  	[sflag:s10] =	ssyncset.done $0x0  }
0x69: {  	[sflag:s10] =	ssyncadd.s32 $0xFFFFFE00  }
0x6a: {  	s2 =	rddreg [dreg:$0x3]  }
0x6b: {  	s0 =	rddreg [dreg:$0x2];
	s2 =	sadd.s32 $0x1, s2  }
0x6c: {  	p0 =	sne.s32 s2, s0  }
.Ltmp3:
0x6d: {  	_ = 	snop;
	(pc) =	sbr.rel @p0 .LBB2_1-.Ltmp3, $1  }
0x6e: {  	_ =	sdelay $0x3  }
0x6f: {  	_ =	sfence.sel $0x180000  }
0x70: {  	[bflag:$0x0] =	sbarrier.arrive $0xFFFF  }
0x71: {  	_ =	strace $0x90000047  }
0x72: {  	s0 =	stileid.u32;
	[bflag:$0x2] =	sbarrier.arrive $0xFFFF  }
0x73: {  	p0 =	sne.s32 s0, $0x0;
	s0 =	rddreg [dreg:$0x1]  }
0x74: {  	s0 =	sadd.s32 @!p0 $0x100000, s0  }
0x75: {  	[sflag:s0] =	ssyncadd.tile.s32 @!p0 $0x1;
	_ =	shalt  }
.Lfunc_end2:
_tile_overlayer_lowered:
.L_overlay_start_2:
0x76: {  	(tag) =	ssettag $0x2  }
0x77: {  	s0 =	rddreg [dreg:$0x0];
	s2 =	stileid.u32  }
0x78: {  	s1 =	rddreg [dreg:$0x1];
	p0 =	sne.s32 s2, $0x0  }
0x79: {  	s3 =	rddreg [dreg:$0x2];
	[bflag:$0x3] =	sbarrier.arrive $0xFFFF;
	s2 =	simm.s32 @!p0 $0x1C03  }
0x7a: {  	[timem:s3], [sflag:s2] =	dma.local @!p0 [hbm:s0], s1  }
0x7b: {  	s0 =	simm.s32 @!p0 $0x3  }
0x7c: {  	_ =	swait.ge @!p0 [sflag:s0], s1  }
0x7d: {  	s1 =	ssub.s32 @!p0 $0x0, s1;
	[sflag:s0] =	ssyncset.done @!p0 $0x0  }
0x7e: {  	[sflag:s0] =	ssyncadd.s32 @!p0 s1  }
0x7f: {  	[bflag:$0x3] =	sbarrier.arrive $0xFFFF  }
0x80: {  	_ =	shalt  }

// kernel: kernel.9.cloned.1.call-start
scs
__scs_entry_jumppad:
0x0: {  	(pc) =	sbr.rel $0x88, $3  }
0x1: {  	(tag) =	ssettag $0x0;
	lr =	simm.s32 $0x1  }
0x2: {  	[smem:$0x3F94] =	sst lr;
	_ =	strace $0xD0000000  }
0x3: {  	_ = 	snop  }
0x4: {  	_ = 	snop  }
0x5: {  	_ = 	snop  }
0x6: {  	_ = 	snop  }
0x7: {  	_ = 	snop  }
__scs_overlays_trampoline_lowered:
0x8: {  	[smem:$0x3FA3] =	sst s0  }
0x9: {  	[smem:$0x3FA4] =	sst s1  }
0xa: {  	[smem:$0x3FA5] =	sst s2  }
0xb: {  	[smem:$0x3FA6] =	sst s3  }
0xc: {  	[smem:$0x3FA7] =	sst s4  }
0xd: {  	[smem:$0x3FA8] =	sst s5  }
0xe: {  	[smem:$0x3FA9] =	sst s6  }
0xf: {  	[smem:$0x3FAA] =	sst s7  }
0x10: {  	[smem:$0x3FAB] =	sst s8  }
0x11: {  	[smem:$0x3FAC] =	sst s9;
	s0 =	simm.s32 @!p0 $0x0  }
0x12: {  	s1 =	sld [smem:$0x3F92];
	s0 =	simm.s32 @p0 $0x1  }
0x13: {  	[smem:$0x3FAD] =	sst s0;
	s0 =	simm.s32 @!p1 $0x0  }
0x14: {  	s2 =	sld [smem:$0x3F91];
	s0 =	simm.s32 @p1 $0x1  }
0x15: {  	[smem:$0x3FAE] =	sst s0;
	s0 =	simm.s32 @!p2 $0x0  }
0x16: {  	s3 =	sld [smem:$0x3FDB];
	s0 =	simm.s32 @p2 $0x1  }
0x17: {  	s4 =	simm.s32 $0x1BF5;
	[smem:$0x3FB0] =	sst s0  }
0x18: {  	s0 =	sld [smem:$0x3F93];
	_ =	swait.ge [sflag:s4], $0x0  }
0x19: {  	s7 =	sld [smem:$0x3F94]  }
0x1a: {  	s8 =	sadd.s32 $0xFFFFE003, lr  }
0x1b: {  	s9 =	sadd.s32 $0xFFFFFEF7, lr;
	s5 =	simm.s32 $0xFFFFFFFF;
	p2 =	slt.u32 s8, $0xFFFFF086  }
0x1c: {  	p1 =	slt.u32 s9, $0xF7A;
	s5 =	simm.s32 @!p2 $0x0  }
0x1d: {  	s5 =	simm.s32 @p1 $0x1;
	p0 =	seq.s32 s7, s2  }
0x1e: {  	s7 =	smul.u32 @!p0 $0xF7A, s2;
	p2 =	seq.s32 @!p0 s5, $0x0  }
0x1f: {  	s9 =	smul.u32 $0xF7A, s1;
	s8 =	simm.s32 @!p0 $0x1BF5;
	p2 =	por !p2, p0  }
0x20: {  	[sflag:s8] =	ssyncset.s32 @!p0 $0xFFFFF086;
	s6 =	sadd.s32 @!p0 s3, s7;
	s7 =	simm.s32 @!p0 $0x108  }
0x21: {  	s3 =	sadd.s32 s3, s9;
	s6 =	sadd.s32 @!p0 $0x88, s6;
	s7 =	simm.s32 @p2 $0x1082  }
0x22: {  	[simem:s7], [sflag:s8] =	dma.local @!p0 [hbm:s6], $0xF7A  }
0x23: {  	s9 =	sor.u32 $0xD0000000, s2;
	s6 =	simm.s32 $0x108;
	_ =	swait.ge @!p0 [sflag:s8], $0x0  }
0x24: {  	s3 =	sadd.s32 $0x88, s3;
	s6 =	simm.s32 @!p1 $0x1082;
	[sflag:s4] =	ssyncset.s32 $0xFFFFF086  }
0x25: {  	[simem:s6], [sflag:s4] =	dma.local [hbm:s3], $0xF7A  }
0x26: {  	[smem:$0x3F94] =	sst s1;
	(tag) =	ssettag s2;
	_ =	strace s9  }
0x27: {  	s1 =	sld [smem:$0x3FA4]  }
0x28: {  	s2 =	sld [smem:$0x3FA5]  }
0x29: {  	s4 =	sld [smem:$0x3FA7]  }
0x2a: {  	p0 =	seq.s32 s5, $0x0;
	s5 =	sld [smem:$0x3FA8]  }
0x2b: {  	s6 =	sld [smem:$0x3FA9]  }
0x2c: {  	s7 =	sld [smem:$0x3FAA]  }
0x2d: {  	s3 =	simm.s32 $0x108;
	s8 =	sld [smem:$0x3FAB]  }
0x2e: {  	s3 =	simm.s32 @!p0 $0x1082;
	s9 =	sld [smem:$0x3FAC]  }
0x2f: {  	lr =	sadd.s32 s0, s3;
	s0 =	sld [smem:$0x3FA3]  }
0x30: {  	s3 =	sld [smem:$0x3FA6]  }
0x31: {  	[smem:$0x3FAF] =	sst s10  }
0x32: {  	s10 =	sld [smem:$0x3FAD];
	_ =	sdelay $0x3  }
0x33: {  	p0 =	seq.s32 s10, $0x1;
	s10 =	sld [smem:$0x3FAF];
	_ =	sdelay $0x3  }
0x34: {  	[smem:$0x3FAF] =	sst s10  }
0x35: {  	s10 =	sld [smem:$0x3FAE];
	_ =	sdelay $0x3  }
0x36: {  	p1 =	seq.s32 s10, $0x1;
	s10 =	sld [smem:$0x3FAF];
	_ =	sdelay $0x3  }
0x37: {  	[smem:$0x3FAF] =	sst s10  }
0x38: {  	s10 =	sld [smem:$0x3FB0]  }
0x39: {  	_ = 	snop;
	(pc) =	sbr.ind lr, $3  }
0x3a: {  	_ = 	snop  }
0x3b: {  	_ = 	snop  }
0x3c: {  	p2 =	seq.s32 s10, $0x1;
	s10 =	sld [smem:$0x3FAF]  }
0x3d: {  	_ =	shalt  }
0x3e: {  	_ =	shalt  }
0x3f: {  	_ =	shalt  }
0x40: {  	_ =	shalt  }
0x41: {  	_ =	shalt  }
0x42: {  	_ =	shalt  }
0x43: {  	_ =	shalt  }
0x44: {  	_ =	shalt  }
0x45: {  	_ =	shalt  }
0x46: {  	_ =	shalt  }
0x47: {  	_ =	shalt  }
0x48: {  	_ =	shalt  }
0x49: {  	_ =	shalt  }
0x4a: {  	_ =	shalt  }
0x4b: {  	_ =	shalt  }
0x4c: {  	_ =	shalt  }
0x4d: {  	_ =	shalt  }
0x4e: {  	_ =	shalt  }
0x4f: {  	_ =	shalt  }
0x50: {  	_ =	shalt  }
0x51: {  	_ =	shalt  }
0x52: {  	_ =	shalt  }
0x53: {  	_ =	shalt  }
0x54: {  	_ =	shalt  }
0x55: {  	_ =	shalt  }
0x56: {  	_ =	shalt  }
0x57: {  	_ =	shalt  }
0x58: {  	_ =	shalt  }
0x59: {  	_ =	shalt  }
0x5a: {  	_ =	shalt  }
0x5b: {  	_ =	shalt  }
0x5c: {  	_ =	shalt  }
0x5d: {  	_ =	shalt  }
0x5e: {  	_ =	shalt  }
0x5f: {  	_ =	shalt  }
0x60: {  	_ =	shalt  }
0x61: {  	_ =	shalt  }
0x62: {  	_ =	shalt  }
0x63: {  	_ =	shalt  }
0x64: {  	_ =	shalt  }
0x65: {  	_ =	shalt  }
0x66: {  	_ =	shalt  }
0x67: {  	_ =	shalt  }
0x68: {  	_ =	shalt  }
0x69: {  	_ =	shalt  }
0x6a: {  	_ =	shalt  }
0x6b: {  	_ =	shalt  }
0x6c: {  	_ =	shalt  }
0x6d: {  	_ =	shalt  }
0x6e: {  	_ =	shalt  }
0x6f: {  	_ =	shalt  }
0x70: {  	_ =	shalt  }
0x71: {  	_ =	shalt  }
0x72: {  	_ =	shalt  }
0x73: {  	_ =	shalt  }
0x74: {  	_ =	shalt  }
0x75: {  	_ =	shalt  }
0x76: {  	_ =	shalt  }
0x77: {  	_ =	shalt  }
0x78: {  	_ =	shalt  }
0x79: {  	_ =	shalt  }
0x7a: {  	_ =	shalt  }
0x7b: {  	_ =	shalt  }
0x7c: {  	_ =	shalt  }
0x7d: {  	_ =	shalt  }
0x7e: {  	_ =	shalt  }
0x7f: {  	_ =	shalt  }
0x80: {  	_ =	shalt  }
0x81: {  	_ =	shalt  }
0x82: {  	_ =	shalt  }
0x83: {  	_ =	shalt  }
0x84: {  	_ =	shalt  }
0x85: {  	_ =	shalt  }
0x86: {  	_ =	shalt  }
0x87: {  	_ =	shalt  }
.Lfunc_end0:
.L_simem_size_0:
called_computation.1_lowered:
.L_overlay_start_0:
0x88: {  	s2 =	sld [smem:$0x3FD9]  }
0x89: {  	s3 =	sld [smem:$0x3FFE];
	_ =	sdelay $0x1  }
0x8a: {  	s1 =	srdreg.scid  }
0x8b: {  	s0 =	sand.u32 $0x1, s1  }
0x8c: {  	s17 =	sshll.u32 s0, $0xA;
	s2 =	sadd.s32 s3, s2  }
0x8d: {  	s2 =	sadd.s32 s2, s17  }
0x8e: {  	[smem:$0x3FBB] =	sst s2  }
0x8f: {  	_ = 	snop  }
0x90: {  	(tm) =	ssettm $0x1  }
0x91: {  	s18 =	sld [smem:$0x3FFB];
	_ =	sdelay $0x3  }
0x92: {  	_ =	strace s18  }
0x93: {  	s2 =	sld [smem:$0x3FFC];
	_ =	sdelay $0x3  }
0x94: {  	_ =	strace s2  }
0x95: {  	s2 =	sld [smem:$0x3FFD];
	_ =	sdelay $0x3  }
0x96: {  	_ =	strace s2  }
0x97: {  	_ =	strace $0x8FFFFFFF  }
0x98: {  	s19 =	sld [smem:$0x3FDB];
	_ =	sdelay $0x1  }
0x99: {  	s20 =	simm.s32 $_scs_section_size  }
0x9a: {  	s4 =	simm.s32 $_size__tile_overlayer_lowered;
	s5 =	simm.s32 $_tile_overlayer_lowered  }
0x9b: {  	s6 =	simm.s32 $0x1BFF;
	s21 =	sshll.u32 s5, $0x1;
	s3 =	sadd.s32 s20, s19  }
0x9c: {  	s22 =	simm.s32 $0x0;
	s4 =	sshll.u32 s4, $0x1;
	s5 =	sadd.s32 s21, s3  }
0x9d: {  	[timem:s22], [sflag:s6] =	dma.local [hbm:s5], s4  }
0x9e: {  	_ =	swait.ge [sflag:s6], s4  }
0x9f: {  	s4 =	ssub.s32 $0x0, s4;
	[sflag:s6] =	ssyncset.done $0x0  }
0xa0: {  	[sflag:s6] =	ssyncadd.s32 s4;
	_ =	sdelay $0x1  }
0xa1: {  	s23 =	simm.s32 $0x1B8B  }
0xa2: {  	_ =	swait.ge [sflag:s23], $0x1  }
0xa3: {  	[sflag:s23] =	ssyncset.done $0x0  }
0xa4: {  	[sflag:s23] =	ssyncadd.s32 $0xFFFFFFFF  }
0xa5: {  	s4 =	sld [smem:$0x0]  }
0xa6: {  	s5 =	sand.u32 $0xFFFFFFFE, s1  }
0xa7: {  	p0 =	sne.s32 s1, s5  }
0xa8: {  	s5 =	sshll.u32 @p0 s5, $0xE  }
0xa9: {  	s5 =	sadd.s32 @p0 $0x11B8D, s5;
	s6 =	sshll.u32 @p0 s4, $0x11  }
0xaa: {  	s5 =	sor.u32 @p0 s6, s5  }
0xab: {  	[sflag:s5] =	ssyncadd.remote.s32 @p0 $0x1;
	_ =	sdelay $0x1  }
0xac: {  	s5 =	simm.s32 @p0 $0x1B8D  }
0xad: {  	_ =	swait.eq @p0 [sflag:s5], $0x1  }
0xae: {  	[sflag:s5] =	ssyncadd.s32 @p0 $0xFFFFFFFF  }
0xaf: {  	s6 =	sshll.u32 @!p0 s1, $0xE  }
0xb0: {  	s6 =	sor.u32 @!p0 $0x4000, s6;
	s5 =	simm.s32 @!p0 $0x1B8D  }
0xb1: {  	s4 =	sshll.u32 @!p0 s4, $0x11;
	s6 =	sadd.s32 @!p0 $0x11B8D, s6;
	_ =	swait.eq @!p0 [sflag:s5], $0x1  }
0xb2: {  	s4 =	sor.u32 @!p0 s4, s6;
	[sflag:s5] =	ssyncadd.s32 @!p0 $0xFFFFFFFF  }
0xb3: {  	s25 =	simm.s32 $0x1B8E;
	s24 =	sld [smem:$0x3FFE];
	[sflag:s4] =	ssyncadd.remote.s32 @!p0 $0x1  }
0xb4: {  	s26 =	simm.s32 $execute0_lowered;
	[smem:$0x3FD2] =	sst s25  }
0xb5: {  	s5 =	sshll.u32 s26, $0x1;
	_ =	strace $0x80000049;
	[dreg:$0x1] =	wrdreg $0xFFFFFFFF  }
0xb6: {  	s28 =	simm.s32 $_size_execute0_lowered;
	s3 =	sadd.s32 s3, s5;
	[dreg:$0x0] =	wrdreg $0x0  }
0xb7: {  	s5 =	sshll.u32 s28, $0x1;
	[dreg:$0x2] =	wrdreg s3  }
0xb8: {  	[dreg:$0x3] =	wrdreg s5  }
0xb9: {  	[dreg:$0x4] =	wrdreg $0xC0  }
0xba: {  	_ =	task [dreg:s22], $0x5FFFF  }
0xbb: {  	[dreg:$0x1] =	wrdreg $0xFFFFFFFF  }
0xbc: {  	[dreg:$0x0] =	wrdreg $0x60  }
0xbd: {  	[dreg:$0x2] =	wrdreg s24  }
0xbe: {  	[dreg:$0x3] =	wrdreg $0xA  }
0xbf: {  	_ =	task.clear_ibuf [dreg:s22], $0x4FFFF;
	_ =	strace $0x90000049  }
0xc0: {  	s29 =	simm.s32 $0xA;
	_ =	strace $0x8000004B  }
0xc1: {  	_ =	swait.ge [sflag:s29], $0x1  }
0xc2: {  	[sflag:s29] =	ssyncadd.s32 $0xFFFFFFFF  }
0xc3: {  	_ =	strace $0x9000004B  }
0xc4: {  	_ =	sfence  }
0xc5: {  	s30 =	sld [smem:$0x0];
	_ =	sdelay $0x2  }
0xc6: {  	s31 =	sshll.u32 s1, $0xD;
	s1 =	sshrl.u32 s1, $0x2  }
0xc7: {  	s4 =	sand.u32 $0x4000, s31;
	s1 =	sadd.s32 s1, s30  }
0xc8: {  	s0 =	sor.u32 s4, s0;
	s1 =	sshll.u32 s1, $0x11  }
0xc9: {  	s0 =	sor.u32 s1, s0  }
0xca: {  	s0 =	sadd.s32 $0x8F2B, s0  }
0xcb: {  	[sflag:s0] =	ssyncadd.remote.s32 $0x1  }
0xcc: {  	_ =	sfence.sel $0xFFFF  }
0xcd: {  	[dreg:$0x0] =	wrdreg $0xFFFFFFFF;
	(pc) =	sbr.abs _section_cstart, $3  }
0xce: {  	[dreg:$0x1] =	wrdreg $0xFFFFFFFF  }
0xcf: {  	_ =	task.clear_ibuf [dreg:s22], $0x2FFFF;
	_ =	strace $0x9FFFFFFF  }
0xd0: {  	(tm) =	ssettm $0x7FFFFFFF  }
0xd1: {  	_ =	shalt  }
tec
execute0_lowered:
.L_overlay_start_1:
0x0: {  	(tag) =	ssettag $0x1  }
0x1: {  	s0 =	rddreg [dreg:$0x0];
	s1 =	simm.s32 $0x0  }
0x2: {  	s2 =	srdreg.scid;
	s6 =	stileid.u32;
	s10 =	simm.s32 $0x3  }
0x3: {  	s11 =	simm.s32 $0x80;
	s12 =	simm.s32 $0x400;
	s15 =	simm.s32 $0x2400  }
0x4: {  	s16 =	simm.s32 $0x180;
	s17 =	simm.s32 $0x3400;
	s18 =	simm.s32 $0x200  }
0x5: {  	s19 =	simm.s32 $0x4400;
	s20 =	simm.s32 $0x280;
	s21 =	simm.s32 $0x4C00  }
0x6: {  	s22 =	simm.s32 $0x300;
	s23 =	simm.s32 $0x5400;
	s24 =	simm.s32 $0x380  }
0x7: {  	s25 =	simm.s32 $0x5C00;
	s26 =	simm.s32 $0x1;
	s28 =	simm.s32 $0x2  }
0x8: {  	s29 =	simm.s32 $0x6400;
	[smem:$0x7FF] =	sst s1;
	s2 =	sand.u32 $0x1, s2  }
0x9: {  	s3 =	sadd.s32 $0xF44200, s0;
	s4 =	sadd.s32 $0x8600, s0;
	s8 =	ssub.s32 $0x2, s2  }
0xa: {  	s5 =	sadd.s32 $0xFD800, s0;
	s7 =	sshll.u32 s6, $0x1;
	s9 =	sshrl.u32 s8, $0x1  }
0xb: {  	s6 =	sadd.s32 $0x104000, s0;
	_ =	strace $0x8000004A;
	s31 =	ssub.s32 s8, s9  }
0xc: {  	v0 =	vlaneseq.u32;
	s2 =	sor.u32 s2, s7;
	s7 =	sadd.s32 $0x1D4000, s0;
	s0 =	smax.u32 s31, $0x1  }
0xd: {  	v0 =	vmul.u32 $0x10, v0;
	s8 =	smul.u32 $0x34, s2;
	s2 =	simm.s32 $0x0;
	[dreg:$0x2] =	wrdreg s0  }
.LBB2_1:
0xe: {  	[dreg:$0x3] =	wrdreg s2;
	s31 =	simm.s32 $0x0  }
.LBB2_2:
0xf: {  	s0 =	sshll.u32 s31, $0x2  }
0x10: {  	s2 =	sadd.s32 s8, s0  }
0x11: {  	s0 =	sshll.u32 s2, $0x4  }
0x12: {  	s13 =	simm.s32 $0x0;
	s9 =	sadd.s32 s5, s0  }
0x13: {  	[tilespmem:s13], [sflag:$0x3] =	stream.linear.gather [hbm4b:s9+s13], $0x200, $0x38;
	[tilespmem:$0x6600] =	vst v63  }
0x14: {  	_ =	swait.ge [sflag:s10], $0x200  }
0x15: {  	[sflag:s10] =	ssyncset.done $0x0  }
0x16: {  	[sflag:s10] =	ssyncadd.s32 $0xFFFFFE00  }
0x17: {  	[tilespmem:s12], [sflag:$0x1] =	stream.indirect.gather [hbm4b:s3+s11], $0x20, s13, s11, $0xb8;
	[tilespmem:$0x6600] =	vst v63  }
0x18: {  	s14 =	simm.s32 $0x1400  }
0x19: {  	[tilespmem:s14], [sflag:$0x1] =	stream.indirect.gather [hbm4b:s3+s11], $0x20, s11, s11, $0xb8;
	[tilespmem:$0x6600] =	vst v63  }
0x1a: {  	s30 =	simm.s32 $0x100  }
0x1b: {  	[tilespmem:s15], [sflag:$0x1] =	stream.indirect.gather [hbm4b:s3+s11], $0x20, s30, s11, $0xb8;
	[tilespmem:$0x6600] =	vst v63  }
0x1c: {  	s9 =	simm.s32 $0x0  }
0x1d: {  	[tilespmem:s17], [sflag:$0x1] =	stream.indirect.gather [hbm4b:s3+s11], $0x20, s16, s11, $0xb8;
	[tilespmem:$0x6600] =	vst v63  }
0x1e: {  	s13 =	simm.s32 $0x40;
	v1 =	vld [tilespmem:s9+$0x0]  }
.LBB2_3:
0x1f: {  	p0 =	sne.s32 s13, $0x7C0  }
.Ltmp0:
0x20: {  	_ = 	snop;
	(pc) =	sbr.rel @p0 .LBB2_3-.Ltmp0, $3  }
0x21: {  	_ =	sdelay $0x1  }
0x22: {  	s14 =	sshra.s32 s13, $0x2;
	s13 =	sadd.s32 $0x40, s13;
	v2 =	vshra.s32 v1, $0x4  }
0x23: {  	v1 =	vld [tilespmem:s14+$0x0];
	[tilespmem:s9+$0x200] =	vst v2;
	s9 =	smov.u32 s14  }
0x24: {  	_ =	sdelay $0x3  }
0x25: {  	v1 =	vshra.s32 v1, $0x4  }
0x26: {  	[tilespmem:s9+$0x200] =	vst v1  }
0x27: {  	[tilespmem:s19], [sflag:$0x2] =	stream.indirect.gather [hbm4b:s4+s11], $0x10, s18, s11, $0xb8;
	[tilespmem:$0x6600] =	vst v63  }
0x28: {  	_ = 	snop  }
0x29: {  	[tilespmem:s21], [sflag:$0x2] =	stream.indirect.gather [hbm4b:s4+s11], $0x10, s20, s11, $0xb8;
	[tilespmem:$0x6600] =	vst v63  }
0x2a: {  	_ = 	snop  }
0x2b: {  	[tilespmem:s23], [sflag:$0x2] =	stream.indirect.gather [hbm4b:s4+s11], $0x10, s22, s11, $0xb8;
	[tilespmem:$0x6600] =	vst v63  }
0x2c: {  	_ = 	snop  }
0x2d: {  	[tilespmem:s25], [sflag:$0x2] =	stream.indirect.gather [hbm4b:s4+s11], $0x10, s24, s11, $0xb8;
	[tilespmem:$0x6600] =	vst v63  }
0x2e: {  	_ =	swait.ge [sflag:s26], $0x1000  }
0x2f: {  	[sflag:s26] =	ssyncset.done $0x0  }
0x30: {  	[sflag:s26] =	ssyncadd.s32 $0xFFFFF000  }
0x31: {  	_ =	swait.ge [sflag:s26], $0x1000  }
0x32: {  	[sflag:s26] =	ssyncset.done $0x0  }
0x33: {  	[sflag:s26] =	ssyncadd.s32 $0xFFFFF000  }
0x34: {  	_ =	swait.ge [sflag:s26], $0x1000  }
0x35: {  	[sflag:s26] =	ssyncset.done $0x0  }
0x36: {  	[sflag:s26] =	ssyncadd.s32 $0xFFFFF000  }
0x37: {  	_ =	swait.ge [sflag:s26], $0x1000  }
0x38: {  	[sflag:s26] =	ssyncset.done $0x0  }
0x39: {  	[sflag:s26] =	ssyncadd.s32 $0xFFFFF000  }
0x3a: {  	_ =	swait.ge [sflag:s28], $0x800  }
0x3b: {  	[sflag:s28] =	ssyncset.done $0x0  }
0x3c: {  	[sflag:s28] =	ssyncadd.s32 $0xFFFFF800  }
0x3d: {  	_ =	swait.ge [sflag:s28], $0x800  }
0x3e: {  	[sflag:s28] =	ssyncset.done $0x0  }
0x3f: {  	[sflag:s28] =	ssyncadd.s32 $0xFFFFF800  }
0x40: {  	_ =	swait.ge [sflag:s28], $0x800  }
0x41: {  	[sflag:s28] =	ssyncset.done $0x0  }
0x42: {  	[sflag:s28] =	ssyncadd.s32 $0xFFFFF800  }
0x43: {  	_ =	swait.ge [sflag:s28], $0x800  }
0x44: {  	[sflag:s28] =	ssyncset.done $0x0  }
0x45: {  	s14 =	simm.s32 $0x0;
	[sflag:s28] =	ssyncadd.s32 $0xFFFFF800  }
0x46: {  	v1 =	vld [tilespmem:s14+$0x0];
	_ =	sdelay $0x2  }
0x47: {  	v2 =	vmov s14  }
0x48: {  	v2 =	vshll.u32 v2, $0x4  }
0x49: {  	v2 =	vor.u32 v0, v2;
	v1 =	vand.u32 $0xF, v1  }
0x4a: {  	v1 =	vor.u32 v2, v1;
	_ =	sdelay $0x4  }
0x4b: {  	v1 =	vld.idx.msk [tilespmem:v1+s19+$0x0], $0xffff;
	_ =	sdelay $0x3  }
0x4c: {  	s9 =	simm.s32 $0x6400  }
0x4d: {  	s30 =	simm.s32 $0x10;
	[tilespmem:s9+$0x0] =	vst v1  }
0x4e: {  	s13 =	simm.s32 $0x20;
	s14 =	simm.s32 $0x10;
	v1 =	vld [tilespmem:s30+$0x0]  }
.LBB2_5:
0x4f: {  	p0 =	sne.s32 s13, $0x1F0;
	_ =	sdelay $0x1  }
0x50: {  	v2 =	vmov s30;
	s30 =	smov.u32 s13  }
0x51: {  	v2 =	vshll.u32 v2, $0x4  }
0x52: {  	v2 =	vor.u32 v0, v2;
	v1 =	vand.u32 $0xF, v1  }
0x53: {  	v1 =	vor.u32 v2, v1;
	_ =	sdelay $0x4  }
0x54: {  	v1 =	vld.idx.msk [tilespmem:v1+s19+$0x0], $0xffff;
	_ =	sdelay $0x2  }
.Ltmp1:
0x55: {  	(pc) =	sbr.rel @p0 .LBB2_5-.Ltmp1, $4  }
0x56: {  	_ = 	snop  }
0x57: {  	s9 =	sadd.s32 $0x10, s9  }
0x58: {  	s14 =	sadd.s32 $0x10, s14;
	[tilespmem:s9+$0x0] =	vst v1  }
0x59: {  	s13 =	sadd.s32 $0x10, s13;
	v1 =	vld [tilespmem:s14+$0x0]  }
0x5a: {  	_ =	sdelay $0x1  }
0x5b: {  	v2 =	vmov s30  }
0x5c: {  	v2 =	vshll.u32 v2, $0x4  }
0x5d: {  	v2 =	vor.u32 v0, v2;
	v1 =	vand.u32 $0xF, v1  }
0x5e: {  	v1 =	vor.u32 v2, v1;
	_ =	sdelay $0x4  }
0x5f: {  	v1 =	vld.idx.msk [tilespmem:v1+s19+$0x0], $0xffff;
	_ =	sdelay $0x3  }
0x60: {  	s9 =	sadd.s32 $0x10, s9;
	s2 =	sshll.u32 s2, $0x9  }
0x61: {  	s2 =	sadd.s32 s6, s2;
	[tilespmem:s9+$0x0] =	vst v1  }
0x62: {  	[hbm4b:s2+s1] =	stream.linear.scatter [tilespmem:s12], [sflag:$0x3], $0x4000, $0x38;
	[tilespmem:$0x6600] =	vst v63  }
0x63: {  	s31 =	sadd.s32 $0x1, s31;
	_ =	swait.ge [sflag:s10], $0x4000  }
0x64: {  	p0 =	sne.s32 s31, $0xD;
	[sflag:s10] =	ssyncset.done $0x0  }
.Ltmp2:
0x65: {  	s0 =	sadd.s32 s7, s0;
	[sflag:s10] =	ssyncadd.s32 $0xFFFFC000;
	(pc) =	sbr.rel @p0 .LBB2_2-.Ltmp2, $4  }
0x66: {  	[hbm4b:s0+s1] =	stream.linear.scatter [tilespmem:s29], [sflag:$0x3], $0x200, $0x38;
	[tilespmem:$0x6600] =	vst v63  }
0x67: {  	_ =	swait.ge [sflag:s10], $0x200  }
0x68: {  	[sflag:s10] =	ssyncset.done $0x0  }
0x69: {  	[sflag:s10] =	ssyncadd.s32 $0xFFFFFE00  }
0x6a: {  	s2 =	rddreg [dreg:$0x3]  }
0x6b: {  	s0 =	rddreg [dreg:$0x2];
	s2 =	sadd.s32 $0x1, s2  }
0x6c: {  	p0 =	sne.s32 s2, s0  }
.Ltmp3:
0x6d: {  	_ = 	snop;
	(pc) =	sbr.rel @p0 .LBB2_1-.Ltmp3, $1  }
0x6e: {  	_ =	sdelay $0x3  }
0x6f: {  	_ =	sfence.sel $0x180000  }
0x70: {  	[bflag:$0x0] =	sbarrier.arrive $0xFFFF  }
0x71: {  	_ =	strace $0x9000004A  }
0x72: {  	s0 =	stileid.u32;
	[bflag:$0x2] =	sbarrier.arrive $0xFFFF  }
0x73: {  	p0 =	sne.s32 s0, $0x0;
	s0 =	rddreg [dreg:$0x1]  }
0x74: {  	s0 =	sadd.s32 @!p0 $0x100000, s0  }
0x75: {  	[sflag:s0] =	ssyncadd.tile.s32 @!p0 $0x1;
	_ =	shalt  }
.Lfunc_end2:
_tile_overlayer_lowered:
.L_overlay_start_2:
0x76: {  	(tag) =	ssettag $0x2  }
0x77: {  	s0 =	rddreg [dreg:$0x0];
	s2 =	stileid.u32  }
0x78: {  	s1 =	rddreg [dreg:$0x1];
	p0 =	sne.s32 s2, $0x0  }
0x79: {  	s3 =	rddreg [dreg:$0x2];
	[bflag:$0x3] =	sbarrier.arrive $0xFFFF;
	s2 =	simm.s32 @!p0 $0x1C03  }
0x7a: {  	[timem:s3], [sflag:s2] =	dma.local @!p0 [hbm:s0], s1  }
0x7b: {  	s0 =	simm.s32 @!p0 $0x3  }
0x7c: {  	_ =	swait.ge @!p0 [sflag:s0], s1  }
0x7d: {  	s1 =	ssub.s32 @!p0 $0x0, s1;
	[sflag:s0] =	ssyncset.done @!p0 $0x0  }
0x7e: {  	[sflag:s0] =	ssyncadd.s32 @!p0 s1  }
0x7f: {  	[bflag:$0x3] =	sbarrier.arrive $0xFFFF  }
0x80: {  	_ =	shalt  }

</sc_bundles>
